<compile_context>
chip_gen: v7x
topology: tpu7x:2x2x1
jax: 0.10.2.dev20260603
libtpu: 0.0.44.dev20260713+nightly
codegen_flags: <defaults>
</compile_context>

<pallas_src>
import functools

import jax
import jax.numpy as jnp
from jax import lax
from jax.experimental import pallas as pl
from jax.experimental.pallas import tpu as pltpu
from jax.experimental.pallas import tpu_sc as plsc



def _sc_gather_groups(q, emb3):
    ctx2 = q.shape[0]
    _, g, dim = emb3.shape
    mesh = plsc.ScalarSubcoreMesh(axis_name="c", num_cores=2)

    @functools.partial(
        pl.kernel,
        mesh=mesh,
        out_type=jax.ShapeDtypeStruct((ctx2, g, dim), jnp.float32),
        scratch_types=[
            pltpu.SMEM((ctx2,), jnp.int32),
            pltpu.SemaphoreType.DMA,
        ],
        compiler_params=pltpu.CompilerParams(use_tc_tiling_on_sc=True),
    )
    def gather_kernel(q_hbm, table_hbm, out_hbm, q_sm, sem):
        cid = lax.axis_index("c")

        @pl.when(cid == 0)
        def _():
            pltpu.sync_copy(q_hbm, q_sm)

            def row_dma(k):
                return pltpu.make_async_copy(
                    table_hbm.at[pl.ds(q_sm[k], 1)],
                    out_hbm.at[pl.ds(k, 1)], sem)

            for k in range(ctx2):
                row_dma(k).start()
            for k in range(ctx2):
                row_dma(k).wait()

    return gather_kernel(q, emb3)



_C = 2048
_NBUF = 4


def _matvec_chunk(w2_chunk, hcol, width):
    parts = []
    c = 0
    while c < width:
        w = min(128, width - c)
        parts.append(jnp.sum(w2_chunk[:, c:c + w] * hcol,
                             axis=0, keepdims=True))
        c += w
    return jnp.concatenate(parts, axis=1)


def _tc_body(g_ref, oh_ref, w1_ref, b1c_ref, b2_ref, w2_hbm, out_ref,
             hcol_s, m_s, s_s, bufs, tail_buf, sems, tail_sem,
             *, vocab, ctx2):
    nfull = vocab // _C
    rem = vocab - nfull * _C

    def full_dma(i, b):
        return pltpu.make_async_copy(
            w2_hbm.at[:, pl.ds(i * _C, _C)], bufs[b], sems[b])

    def tail_dma():
        return pltpu.make_async_copy(
            w2_hbm.at[:, pl.ds(nfull * _C, rem)], tail_buf, tail_sem)

    for b in range(_NBUF):
        full_dma(b, b).start()
    if rem:
        tail_dma().start()

    xsel = g_ref[...] * oh_ref[...]
    hcol = b1c_ref[...]
    for k in range(ctx2):
        xk = jnp.sum(xsel[8 * k:8 * k + 8, :], axis=0, keepdims=True)
        hcol = hcol + lax.dot_general(
            w1_ref[k], xk, (((0,), (1,)), ((), ())),
            preferred_element_type=jnp.float32)
    hcol_s[...] = jnp.maximum(hcol, 0.0)
    m_s[...] = jnp.full_like(m_s, -jnp.inf)
    s_s[...] = jnp.zeros_like(s_s)

    def update(vals, start, width):
        tile_max = jnp.max(vals)
        m_old = m_s[...]
        m_new = jnp.maximum(m_old, tile_max)
        tile_sum = jnp.sum(jnp.exp(vals - m_new[0, 0]))
        s_s[...] = s_s[...] * jnp.exp(m_old - m_new) + tile_sum
        m_s[...] = m_new
        out_ref[0:1, pl.ds(start, width)] = vals

    def body(i, carry):
        for b in range(_NBUF):
            @pl.when(i % _NBUF == b)
            def _():
                full_dma(i, b).wait()
                logits = _matvec_chunk(bufs[b][...], hcol_s[...], _C)
                update(logits + b2_ref[0:1, pl.ds(i * _C, _C)], i * _C, _C)

                @pl.when(i + _NBUF < nfull)
                def _():
                    full_dma(i + _NBUF, b).start()
        return carry

    lax.fori_loop(0, nfull, body, 0)

    if rem:
        tail_dma().wait()
        logits = _matvec_chunk(tail_buf[...], hcol_s[...], rem)
        logits = logits + b2_ref[0:1, pl.ds(nfull * _C, rem)]
        update(logits, nfull * _C, rem)

    lse = m_s[0:1, 0:1] + jnp.log(s_s[0:1, 0:1])
    out_ref[...] = out_ref[...] - lse


def _tc_mlp_logsoftmax(g, oh, w1, b1, w2, b2):
    vocab = w2.shape[1]
    ctx2 = g.shape[0] // 8
    rem = vocab - (vocab // _C) * _C

    body = functools.partial(_tc_body, vocab=vocab, ctx2=ctx2)
    return pl.pallas_call(
        body,
        in_specs=[
            pl.BlockSpec(g.shape, lambda: (0, 0)),
            pl.BlockSpec(oh.shape, lambda: (0, 0)),
            pl.BlockSpec(w1.shape, lambda: (0, 0, 0)),
            pl.BlockSpec((128, 1), lambda: (0, 0)),
            pl.BlockSpec((1, vocab), lambda: (0, 0)),
            pl.BlockSpec(memory_space=pl.ANY),
        ],
        out_specs=pl.BlockSpec((1, vocab), lambda: (0, 0)),
        out_shape=jax.ShapeDtypeStruct((1, vocab), jnp.float32),
        scratch_shapes=[
            pltpu.VMEM((128, 1), jnp.float32),
            pltpu.VMEM((1, 128), jnp.float32),
            pltpu.VMEM((1, 128), jnp.float32),
            [pltpu.VMEM((128, _C), jnp.float32) for _ in range(_NBUF)],
            pltpu.VMEM((128, rem), jnp.float32),
            [pltpu.SemaphoreType.DMA for _ in range(_NBUF)],
            pltpu.SemaphoreType.DMA,
        ],
    )(g, oh, w1, b1.reshape(128, 1), b2.reshape(1, vocab), w2)


def kernel(context, emb, W1, b1, W2, b2):
    ctx2 = context.shape[0]
    vocab, dim = emb.shape
    ctx = context.astype(jnp.int32)
    q = ctx // 8
    emb3 = emb.reshape(vocab // 8, 8, dim)
    g = _sc_gather_groups(q, emb3)
    oh = (ctx[:, None] % 8 == jnp.arange(8, dtype=jnp.int32)[None, :])
    oh = oh.astype(jnp.float32).reshape(ctx2 * 8, 1)
    g2 = g.reshape(ctx2 * 8, dim)
    w1_3d = W1.reshape(ctx2, dim, W1.shape[1])
    return _tc_mlp_logsoftmax(g2, oh, w1_3d, b1, W2, b2)

# --- scband reference (transcript-rebuilt; emitter-appended) ---
"""Pipeline reference for scband-cbow-63333587747358 (READ-ONLY COPY).

The authoritative reference and input builder live on the scoring server;
editing this copy changes nothing except your own understanding.
"""

import jax, jax.numpy as jnp
import numpy as np

VOCAB = 100000
DIM = 64
CTX = 10

def setup_inputs(seed: int = 0) -> dict:
    key = jax.random.key(seed)
    ks = jax.random.split(key, 5)
    context = jax.random.randint(ks[0], (CTX * 2,), 0, VOCAB)
    emb = jax.random.normal(ks[1], (VOCAB, DIM), dtype=jnp.float32)
    W1 = jax.random.normal(ks[2], (CTX * 2 * DIM, 128), dtype=jnp.float32) * 0.02
    b1 = jnp.zeros((128,), dtype=jnp.float32)
    W2 = jax.random.normal(ks[3], (128, VOCAB), dtype=jnp.float32) * 0.02
    b2 = jnp.zeros((VOCAB,), dtype=jnp.float32)
    return {"context": context, "emb": emb, "W1": W1, "b1": b1, "W2": W2, "b2": b2}

def reference(context, emb, W1, b1, W2, b2):
    embedded = jnp.take(emb, context, axis=0)
    embedded = embedded.reshape(1, -1)
    h = jax.nn.relu(embedded @ W1 + b1)
    out = h @ W2 + b2
    log_probs = jax.nn.log_softmax(out, axis=1)
    return log_probs

if __name__ == "__main__":
    import jax
    _d = setup_inputs()
    print(jax.jit(kernel)(*tuple(_d.values())))

</pallas_src>

<mosaic_0001>
#map = affine_map<(d0) -> (0)>
#map1 = affine_map<(d0) -> (0, 0, 0)>
module attributes {stable_mosaic.version = 14 : i64} {
  func.func @gather_kernel(%arg0: i32, %arg1: memref<20xi32, #tpu.memory_space<hbm>>, %arg2: memref<12500x8x64xf32, #tpu.memory_space<hbm>>, %arg3: memref<20x8x64xf32, #tpu.memory_space<hbm>>, %arg4: memref<20xi32, #tpu.memory_space<smem>>, %arg5: memref<!tpu.dma_semaphore, #tpu.memory_space<semaphore_mem>>) attributes {dimension_semantics = [#tpu.dimension_semantics<core_parallel>], iteration_bounds = array<i64: 2>, scalar_prefetch = 0 : i64, scratch_operands = 2 : i64, tpu.core_type = #tpu.core_type<sc_scalar_subcore>, window_params = [{transform_indices = #map}, {transform_indices = #map1}, {transform_indices = #map1}]} {
    %eq3A = arith.constant 0 : i32
    %eq3A_0 = arith.cmpi eq, %arg0, %eq3A : i32
    %convert_element_type3A = arith.extui %eq3A_0 : i1 to i32
    %cond3A = arith.constant 0 : i32
    %cond3A_1 = arith.cmpi ne, %convert_element_type3A, %cond3A : i32
    scf.if %cond3A_1 {
      "tpu.region"() ({
        %run_scoped3A = tpu.sem_alloc : memref<!tpu.dma_semaphore, #tpu.memory_space<semaphore_mem>>
        tpu.enqueue_dma source(%arg1 : memref<20xi32, #tpu.memory_space<hbm>>) target(%arg4 : memref<20xi32, #tpu.memory_space<smem>>) target_semaphore(%run_scoped3A : memref<!tpu.dma_semaphore, #tpu.memory_space<semaphore_mem>>)
        tpu.wait_dma2 semaphore(%run_scoped3A : memref<!tpu.dma_semaphore, #tpu.memory_space<semaphore_mem>>) src(%arg1 : memref<20xi32, #tpu.memory_space<hbm>>) dst(%arg4 : memref<20xi32, #tpu.memory_space<smem>>)
        tpu.yield
      }) : () -> ()
      %get3A = arith.constant 0 : i32
      %get3A_2 = arith.index_cast %get3A : i32 to index
      %get3A_3 = memref.load %arg4[%get3A_2] : memref<20xi32, #tpu.memory_space<smem>>
      %dma_start3A = arith.constant 0 : i32
      %dma_start3A_4 = arith.constant 0 : i32
      %dma_start3A_5 = arith.constant 0 : i32
      %dma_start3A_6 = tpu.memref_slice %arg3[%dma_start3A, %dma_start3A_4, %dma_start3A_5] : memref<20x8x64xf32, #tpu.memory_space<hbm>> -> memref<1x8x64xf32, #tpu.memory_space<hbm>>
      %dma_start3A_7 = arith.constant 0 : i32
      %dma_start3A_8 = arith.constant 0 : i32
      %dma_start3A_9 = tpu.memref_slice %arg2[%get3A_3, %dma_start3A_7, %dma_start3A_8] : memref<12500x8x64xf32, #tpu.memory_space<hbm>> -> memref<1x8x64xf32, #tpu.memory_space<hbm>>
      tpu.enqueue_dma source(%dma_start3A_9 : memref<1x8x64xf32, #tpu.memory_space<hbm>>) target(%dma_start3A_6 : memref<1x8x64xf32, #tpu.memory_space<hbm>>) target_semaphore(%arg5 : memref<!tpu.dma_semaphore, #tpu.memory_space<semaphore_mem>>)
      %get3A_10 = arith.constant 1 : i32
      %get3A_11 = arith.index_cast %get3A_10 : i32 to index
      %get3A_12 = memref.load %arg4[%get3A_11] : memref<20xi32, #tpu.memory_space<smem>>
      %dma_start3A_13 = arith.constant 1 : i32
      %dma_start3A_14 = arith.constant 0 : i32
      %dma_start3A_15 = arith.constant 0 : i32
      %dma_start3A_16 = tpu.memref_slice %arg3[%dma_start3A_13, %dma_start3A_14, %dma_start3A_15] : memref<20x8x64xf32, #tpu.memory_space<hbm>> -> memref<1x8x64xf32, #tpu.memory_space<hbm>>
      %dma_start3A_17 = arith.constant 0 : i32
      %dma_start3A_18 = arith.constant 0 : i32
      %dma_start3A_19 = tpu.memref_slice %arg2[%get3A_12, %dma_start3A_17, %dma_start3A_18] : memref<12500x8x64xf32, #tpu.memory_space<hbm>> -> memref<1x8x64xf32, #tpu.memory_space<hbm>>
      tpu.enqueue_dma source(%dma_start3A_19 : memref<1x8x64xf32, #tpu.memory_space<hbm>>) target(%dma_start3A_16 : memref<1x8x64xf32, #tpu.memory_space<hbm>>) target_semaphore(%arg5 : memref<!tpu.dma_semaphore, #tpu.memory_space<semaphore_mem>>)
      %get3A_20 = arith.constant 2 : i32
      %get3A_21 = arith.index_cast %get3A_20 : i32 to index
      %get3A_22 = memref.load %arg4[%get3A_21] : memref<20xi32, #tpu.memory_space<smem>>
      %dma_start3A_23 = arith.constant 2 : i32
      %dma_start3A_24 = arith.constant 0 : i32
      %dma_start3A_25 = arith.constant 0 : i32
      %dma_start3A_26 = tpu.memref_slice %arg3[%dma_start3A_23, %dma_start3A_24, %dma_start3A_25] : memref<20x8x64xf32, #tpu.memory_space<hbm>> -> memref<1x8x64xf32, #tpu.memory_space<hbm>>
      %dma_start3A_27 = arith.constant 0 : i32
      %dma_start3A_28 = arith.constant 0 : i32
      %dma_start3A_29 = tpu.memref_slice %arg2[%get3A_22, %dma_start3A_27, %dma_start3A_28] : memref<12500x8x64xf32, #tpu.memory_space<hbm>> -> memref<1x8x64xf32, #tpu.memory_space<hbm>>
      tpu.enqueue_dma source(%dma_start3A_29 : memref<1x8x64xf32, #tpu.memory_space<hbm>>) target(%dma_start3A_26 : memref<1x8x64xf32, #tpu.memory_space<hbm>>) target_semaphore(%arg5 : memref<!tpu.dma_semaphore, #tpu.memory_space<semaphore_mem>>)
      %get3A_30 = arith.constant 3 : i32
      %get3A_31 = arith.index_cast %get3A_30 : i32 to index
      %get3A_32 = memref.load %arg4[%get3A_31] : memref<20xi32, #tpu.memory_space<smem>>
      %dma_start3A_33 = arith.constant 3 : i32
      %dma_start3A_34 = arith.constant 0 : i32
      %dma_start3A_35 = arith.constant 0 : i32
      %dma_start3A_36 = tpu.memref_slice %arg3[%dma_start3A_33, %dma_start3A_34, %dma_start3A_35] : memref<20x8x64xf32, #tpu.memory_space<hbm>> -> memref<1x8x64xf32, #tpu.memory_space<hbm>>
      %dma_start3A_37 = arith.constant 0 : i32
      %dma_start3A_38 = arith.constant 0 : i32
      %dma_start3A_39 = tpu.memref_slice %arg2[%get3A_32, %dma_start3A_37, %dma_start3A_38] : memref<12500x8x64xf32, #tpu.memory_space<hbm>> -> memref<1x8x64xf32, #tpu.memory_space<hbm>>
      tpu.enqueue_dma source(%dma_start3A_39 : memref<1x8x64xf32, #tpu.memory_space<hbm>>) target(%dma_start3A_36 : memref<1x8x64xf32, #tpu.memory_space<hbm>>) target_semaphore(%arg5 : memref<!tpu.dma_semaphore, #tpu.memory_space<semaphore_mem>>)
      %get3A_40 = arith.constant 4 : i32
      %get3A_41 = arith.index_cast %get3A_40 : i32 to index
      %get3A_42 = memref.load %arg4[%get3A_41] : memref<20xi32, #tpu.memory_space<smem>>
      %dma_start3A_43 = arith.constant 4 : i32
      %dma_start3A_44 = arith.constant 0 : i32
      %dma_start3A_45 = arith.constant 0 : i32
      %dma_start3A_46 = tpu.memref_slice %arg3[%dma_start3A_43, %dma_start3A_44, %dma_start3A_45] : memref<20x8x64xf32, #tpu.memory_space<hbm>> -> memref<1x8x64xf32, #tpu.memory_space<hbm>>
      %dma_start3A_47 = arith.constant 0 : i32
      %dma_start3A_48 = arith.constant 0 : i32
      %dma_start3A_49 = tpu.memref_slice %arg2[%get3A_42, %dma_start3A_47, %dma_start3A_48] : memref<12500x8x64xf32, #tpu.memory_space<hbm>> -> memref<1x8x64xf32, #tpu.memory_space<hbm>>
      tpu.enqueue_dma source(%dma_start3A_49 : memref<1x8x64xf32, #tpu.memory_space<hbm>>) target(%dma_start3A_46 : memref<1x8x64xf32, #tpu.memory_space<hbm>>) target_semaphore(%arg5 : memref<!tpu.dma_semaphore, #tpu.memory_space<semaphore_mem>>)
      %get3A_50 = arith.constant 5 : i32
      %get3A_51 = arith.index_cast %get3A_50 : i32 to index
      %get3A_52 = memref.load %arg4[%get3A_51] : memref<20xi32, #tpu.memory_space<smem>>
      %dma_start3A_53 = arith.constant 5 : i32
      %dma_start3A_54 = arith.constant 0 : i32
      %dma_start3A_55 = arith.constant 0 : i32
      %dma_start3A_56 = tpu.memref_slice %arg3[%dma_start3A_53, %dma_start3A_54, %dma_start3A_55] : memref<20x8x64xf32, #tpu.memory_space<hbm>> -> memref<1x8x64xf32, #tpu.memory_space<hbm>>
      %dma_start3A_57 = arith.constant 0 : i32
      %dma_start3A_58 = arith.constant 0 : i32
      %dma_start3A_59 = tpu.memref_slice %arg2[%get3A_52, %dma_start3A_57, %dma_start3A_58] : memref<12500x8x64xf32, #tpu.memory_space<hbm>> -> memref<1x8x64xf32, #tpu.memory_space<hbm>>
      tpu.enqueue_dma source(%dma_start3A_59 : memref<1x8x64xf32, #tpu.memory_space<hbm>>) target(%dma_start3A_56 : memref<1x8x64xf32, #tpu.memory_space<hbm>>) target_semaphore(%arg5 : memref<!tpu.dma_semaphore, #tpu.memory_space<semaphore_mem>>)
      %get3A_60 = arith.constant 6 : i32
      %get3A_61 = arith.index_cast %get3A_60 : i32 to index
      %get3A_62 = memref.load %arg4[%get3A_61] : memref<20xi32, #tpu.memory_space<smem>>
      %dma_start3A_63 = arith.constant 6 : i32
      %dma_start3A_64 = arith.constant 0 : i32
      %dma_start3A_65 = arith.constant 0 : i32
      %dma_start3A_66 = tpu.memref_slice %arg3[%dma_start3A_63, %dma_start3A_64, %dma_start3A_65] : memref<20x8x64xf32, #tpu.memory_space<hbm>> -> memref<1x8x64xf32, #tpu.memory_space<hbm>>
      %dma_start3A_67 = arith.constant 0 : i32
      %dma_start3A_68 = arith.constant 0 : i32
      %dma_start3A_69 = tpu.memref_slice %arg2[%get3A_62, %dma_start3A_67, %dma_start3A_68] : memref<12500x8x64xf32, #tpu.memory_space<hbm>> -> memref<1x8x64xf32, #tpu.memory_space<hbm>>
      tpu.enqueue_dma source(%dma_start3A_69 : memref<1x8x64xf32, #tpu.memory_space<hbm>>) target(%dma_start3A_66 : memref<1x8x64xf32, #tpu.memory_space<hbm>>) target_semaphore(%arg5 : memref<!tpu.dma_semaphore, #tpu.memory_space<semaphore_mem>>)
      %get3A_70 = arith.constant 7 : i32
      %get3A_71 = arith.index_cast %get3A_70 : i32 to index
      %get3A_72 = memref.load %arg4[%get3A_71] : memref<20xi32, #tpu.memory_space<smem>>
      %dma_start3A_73 = arith.constant 7 : i32
      %dma_start3A_74 = arith.constant 0 : i32
      %dma_start3A_75 = arith.constant 0 : i32
      %dma_start3A_76 = tpu.memref_slice %arg3[%dma_start3A_73, %dma_start3A_74, %dma_start3A_75] : memref<20x8x64xf32, #tpu.memory_space<hbm>> -> memref<1x8x64xf32, #tpu.memory_space<hbm>>
      %dma_start3A_77 = arith.constant 0 : i32
      %dma_start3A_78 = arith.constant 0 : i32
      %dma_start3A_79 = tpu.memref_slice %arg2[%get3A_72, %dma_start3A_77, %dma_start3A_78] : memref<12500x8x64xf32, #tpu.memory_space<hbm>> -> memref<1x8x64xf32, #tpu.memory_space<hbm>>
      tpu.enqueue_dma source(%dma_start3A_79 : memref<1x8x64xf32, #tpu.memory_space<hbm>>) target(%dma_start3A_76 : memref<1x8x64xf32, #tpu.memory_space<hbm>>) target_semaphore(%arg5 : memref<!tpu.dma_semaphore, #tpu.memory_space<semaphore_mem>>)
      %get3A_80 = arith.constant 8 : i32
      %get3A_81 = arith.index_cast %get3A_80 : i32 to index
      %get3A_82 = memref.load %arg4[%get3A_81] : memref<20xi32, #tpu.memory_space<smem>>
      %dma_start3A_83 = arith.constant 8 : i32
      %dma_start3A_84 = arith.constant 0 : i32
      %dma_start3A_85 = arith.constant 0 : i32
      %dma_start3A_86 = tpu.memref_slice %arg3[%dma_start3A_83, %dma_start3A_84, %dma_start3A_85] : memref<20x8x64xf32, #tpu.memory_space<hbm>> -> memref<1x8x64xf32, #tpu.memory_space<hbm>>
      %dma_start3A_87 = arith.constant 0 : i32
      %dma_start3A_88 = arith.constant 0 : i32
      %dma_start3A_89 = tpu.memref_slice %arg2[%get3A_82, %dma_start3A_87, %dma_start3A_88] : memref<12500x8x64xf32, #tpu.memory_space<hbm>> -> memref<1x8x64xf32, #tpu.memory_space<hbm>>
      tpu.enqueue_dma source(%dma_start3A_89 : memref<1x8x64xf32, #tpu.memory_space<hbm>>) target(%dma_start3A_86 : memref<1x8x64xf32, #tpu.memory_space<hbm>>) target_semaphore(%arg5 : memref<!tpu.dma_semaphore, #tpu.memory_space<semaphore_mem>>)
      %get3A_90 = arith.constant 9 : i32
      %get3A_91 = arith.index_cast %get3A_90 : i32 to index
      %get3A_92 = memref.load %arg4[%get3A_91] : memref<20xi32, #tpu.memory_space<smem>>
      %dma_start3A_93 = arith.constant 9 : i32
      %dma_start3A_94 = arith.constant 0 : i32
      %dma_start3A_95 = arith.constant 0 : i32
      %dma_start3A_96 = tpu.memref_slice %arg3[%dma_start3A_93, %dma_start3A_94, %dma_start3A_95] : memref<20x8x64xf32, #tpu.memory_space<hbm>> -> memref<1x8x64xf32, #tpu.memory_space<hbm>>
      %dma_start3A_97 = arith.constant 0 : i32
      %dma_start3A_98 = arith.constant 0 : i32
      %dma_start3A_99 = tpu.memref_slice %arg2[%get3A_92, %dma_start3A_97, %dma_start3A_98] : memref<12500x8x64xf32, #tpu.memory_space<hbm>> -> memref<1x8x64xf32, #tpu.memory_space<hbm>>
      tpu.enqueue_dma source(%dma_start3A_99 : memref<1x8x64xf32, #tpu.memory_space<hbm>>) target(%dma_start3A_96 : memref<1x8x64xf32, #tpu.memory_space<hbm>>) target_semaphore(%arg5 : memref<!tpu.dma_semaphore, #tpu.memory_space<semaphore_mem>>)
      %get3A_100 = arith.constant 10 : i32
      %get3A_101 = arith.index_cast %get3A_100 : i32 to index
      %get3A_102 = memref.load %arg4[%get3A_101] : memref<20xi32, #tpu.memory_space<smem>>
      %dma_start3A_103 = arith.constant 10 : i32
      %dma_start3A_104 = arith.constant 0 : i32
      %dma_start3A_105 = arith.constant 0 : i32
      %dma_start3A_106 = tpu.memref_slice %arg3[%dma_start3A_103, %dma_start3A_104, %dma_start3A_105] : memref<20x8x64xf32, #tpu.memory_space<hbm>> -> memref<1x8x64xf32, #tpu.memory_space<hbm>>
      %dma_start3A_107 = arith.constant 0 : i32
      %dma_start3A_108 = arith.constant 0 : i32
      %dma_start3A_109 = tpu.memref_slice %arg2[%get3A_102, %dma_start3A_107, %dma_start3A_108] : memref<12500x8x64xf32, #tpu.memory_space<hbm>> -> memref<1x8x64xf32, #tpu.memory_space<hbm>>
      tpu.enqueue_dma source(%dma_start3A_109 : memref<1x8x64xf32, #tpu.memory_space<hbm>>) target(%dma_start3A_106 : memref<1x8x64xf32, #tpu.memory_space<hbm>>) target_semaphore(%arg5 : memref<!tpu.dma_semaphore, #tpu.memory_space<semaphore_mem>>)
      %get3A_110 = arith.constant 11 : i32
      %get3A_111 = arith.index_cast %get3A_110 : i32 to index
      %get3A_112 = memref.load %arg4[%get3A_111] : memref<20xi32, #tpu.memory_space<smem>>
      %dma_start3A_113 = arith.constant 11 : i32
      %dma_start3A_114 = arith.constant 0 : i32
      %dma_start3A_115 = arith.constant 0 : i32
      %dma_start3A_116 = tpu.memref_slice %arg3[%dma_start3A_113, %dma_start3A_114, %dma_start3A_115] : memref<20x8x64xf32, #tpu.memory_space<hbm>> -> memref<1x8x64xf32, #tpu.memory_space<hbm>>
      %dma_start3A_117 = arith.constant 0 : i32
      %dma_start3A_118 = arith.constant 0 : i32
      %dma_start3A_119 = tpu.memref_slice %arg2[%get3A_112, %dma_start3A_117, %dma_start3A_118] : memref<12500x8x64xf32, #tpu.memory_space<hbm>> -> memref<1x8x64xf32, #tpu.memory_space<hbm>>
      tpu.enqueue_dma source(%dma_start3A_119 : memref<1x8x64xf32, #tpu.memory_space<hbm>>) target(%dma_start3A_116 : memref<1x8x64xf32, #tpu.memory_space<hbm>>) target_semaphore(%arg5 : memref<!tpu.dma_semaphore, #tpu.memory_space<semaphore_mem>>)
      %get3A_120 = arith.constant 12 : i32
      %get3A_121 = arith.index_cast %get3A_120 : i32 to index
      %get3A_122 = memref.load %arg4[%get3A_121] : memref<20xi32, #tpu.memory_space<smem>>
      %dma_start3A_123 = arith.constant 12 : i32
      %dma_start3A_124 = arith.constant 0 : i32
      %dma_start3A_125 = arith.constant 0 : i32
      %dma_start3A_126 = tpu.memref_slice %arg3[%dma_start3A_123, %dma_start3A_124, %dma_start3A_125] : memref<20x8x64xf32, #tpu.memory_space<hbm>> -> memref<1x8x64xf32, #tpu.memory_space<hbm>>
      %dma_start3A_127 = arith.constant 0 : i32
      %dma_start3A_128 = arith.constant 0 : i32
      %dma_start3A_129 = tpu.memref_slice %arg2[%get3A_122, %dma_start3A_127, %dma_start3A_128] : memref<12500x8x64xf32, #tpu.memory_space<hbm>> -> memref<1x8x64xf32, #tpu.memory_space<hbm>>
      tpu.enqueue_dma source(%dma_start3A_129 : memref<1x8x64xf32, #tpu.memory_space<hbm>>) target(%dma_start3A_126 : memref<1x8x64xf32, #tpu.memory_space<hbm>>) target_semaphore(%arg5 : memref<!tpu.dma_semaphore, #tpu.memory_space<semaphore_mem>>)
      %get3A_130 = arith.constant 13 : i32
      %get3A_131 = arith.index_cast %get3A_130 : i32 to index
      %get3A_132 = memref.load %arg4[%get3A_131] : memref<20xi32, #tpu.memory_space<smem>>
      %dma_start3A_133 = arith.constant 13 : i32
      %dma_start3A_134 = arith.constant 0 : i32
      %dma_start3A_135 = arith.constant 0 : i32
      %dma_start3A_136 = tpu.memref_slice %arg3[%dma_start3A_133, %dma_start3A_134, %dma_start3A_135] : memref<20x8x64xf32, #tpu.memory_space<hbm>> -> memref<1x8x64xf32, #tpu.memory_space<hbm>>
      %dma_start3A_137 = arith.constant 0 : i32
      %dma_start3A_138 = arith.constant 0 : i32
      %dma_start3A_139 = tpu.memref_slice %arg2[%get3A_132, %dma_start3A_137, %dma_start3A_138] : memref<12500x8x64xf32, #tpu.memory_space<hbm>> -> memref<1x8x64xf32, #tpu.memory_space<hbm>>
      tpu.enqueue_dma source(%dma_start3A_139 : memref<1x8x64xf32, #tpu.memory_space<hbm>>) target(%dma_start3A_136 : memref<1x8x64xf32, #tpu.memory_space<hbm>>) target_semaphore(%arg5 : memref<!tpu.dma_semaphore, #tpu.memory_space<semaphore_mem>>)
      %get3A_140 = arith.constant 14 : i32
      %get3A_141 = arith.index_cast %get3A_140 : i32 to index
      %get3A_142 = memref.load %arg4[%get3A_141] : memref<20xi32, #tpu.memory_space<smem>>
      %dma_start3A_143 = arith.constant 14 : i32
      %dma_start3A_144 = arith.constant 0 : i32
      %dma_start3A_145 = arith.constant 0 : i32
      %dma_start3A_146 = tpu.memref_slice %arg3[%dma_start3A_143, %dma_start3A_144, %dma_start3A_145] : memref<20x8x64xf32, #tpu.memory_space<hbm>> -> memref<1x8x64xf32, #tpu.memory_space<hbm>>
      %dma_start3A_147 = arith.constant 0 : i32
      %dma_start3A_148 = arith.constant 0 : i32
      %dma_start3A_149 = tpu.memref_slice %arg2[%get3A_142, %dma_start3A_147, %dma_start3A_148] : memref<12500x8x64xf32, #tpu.memory_space<hbm>> -> memref<1x8x64xf32, #tpu.memory_space<hbm>>
      tpu.enqueue_dma source(%dma_start3A_149 : memref<1x8x64xf32, #tpu.memory_space<hbm>>) target(%dma_start3A_146 : memref<1x8x64xf32, #tpu.memory_space<hbm>>) target_semaphore(%arg5 : memref<!tpu.dma_semaphore, #tpu.memory_space<semaphore_mem>>)
      %get3A_150 = arith.constant 15 : i32
      %get3A_151 = arith.index_cast %get3A_150 : i32 to index
      %get3A_152 = memref.load %arg4[%get3A_151] : memref<20xi32, #tpu.memory_space<smem>>
      %dma_start3A_153 = arith.constant 15 : i32
      %dma_start3A_154 = arith.constant 0 : i32
      %dma_start3A_155 = arith.constant 0 : i32
      %dma_start3A_156 = tpu.memref_slice %arg3[%dma_start3A_153, %dma_start3A_154, %dma_start3A_155] : memref<20x8x64xf32, #tpu.memory_space<hbm>> -> memref<1x8x64xf32, #tpu.memory_space<hbm>>
      %dma_start3A_157 = arith.constant 0 : i32
      %dma_start3A_158 = arith.constant 0 : i32
      %dma_start3A_159 = tpu.memref_slice %arg2[%get3A_152, %dma_start3A_157, %dma_start3A_158] : memref<12500x8x64xf32, #tpu.memory_space<hbm>> -> memref<1x8x64xf32, #tpu.memory_space<hbm>>
      tpu.enqueue_dma source(%dma_start3A_159 : memref<1x8x64xf32, #tpu.memory_space<hbm>>) target(%dma_start3A_156 : memref<1x8x64xf32, #tpu.memory_space<hbm>>) target_semaphore(%arg5 : memref<!tpu.dma_semaphore, #tpu.memory_space<semaphore_mem>>)
      %get3A_160 = arith.constant 16 : i32
      %get3A_161 = arith.index_cast %get3A_160 : i32 to index
      %get3A_162 = memref.load %arg4[%get3A_161] : memref<20xi32, #tpu.memory_space<smem>>
      %dma_start3A_163 = arith.constant 16 : i32
      %dma_start3A_164 = arith.constant 0 : i32
      %dma_start3A_165 = arith.constant 0 : i32
      %dma_start3A_166 = tpu.memref_slice %arg3[%dma_start3A_163, %dma_start3A_164, %dma_start3A_165] : memref<20x8x64xf32, #tpu.memory_space<hbm>> -> memref<1x8x64xf32, #tpu.memory_space<hbm>>
      %dma_start3A_167 = arith.constant 0 : i32
      %dma_start3A_168 = arith.constant 0 : i32
      %dma_start3A_169 = tpu.memref_slice %arg2[%get3A_162, %dma_start3A_167, %dma_start3A_168] : memref<12500x8x64xf32, #tpu.memory_space<hbm>> -> memref<1x8x64xf32, #tpu.memory_space<hbm>>
      tpu.enqueue_dma source(%dma_start3A_169 : memref<1x8x64xf32, #tpu.memory_space<hbm>>) target(%dma_start3A_166 : memref<1x8x64xf32, #tpu.memory_space<hbm>>) target_semaphore(%arg5 : memref<!tpu.dma_semaphore, #tpu.memory_space<semaphore_mem>>)
      %get3A_170 = arith.constant 17 : i32
      %get3A_171 = arith.index_cast %get3A_170 : i32 to index
      %get3A_172 = memref.load %arg4[%get3A_171] : memref<20xi32, #tpu.memory_space<smem>>
      %dma_start3A_173 = arith.constant 17 : i32
      %dma_start3A_174 = arith.constant 0 : i32
      %dma_start3A_175 = arith.constant 0 : i32
      %dma_start3A_176 = tpu.memref_slice %arg3[%dma_start3A_173, %dma_start3A_174, %dma_start3A_175] : memref<20x8x64xf32, #tpu.memory_space<hbm>> -> memref<1x8x64xf32, #tpu.memory_space<hbm>>
      %dma_start3A_177 = arith.constant 0 : i32
      %dma_start3A_178 = arith.constant 0 : i32
      %dma_start3A_179 = tpu.memref_slice %arg2[%get3A_172, %dma_start3A_177, %dma_start3A_178] : memref<12500x8x64xf32, #tpu.memory_space<hbm>> -> memref<1x8x64xf32, #tpu.memory_space<hbm>>
      tpu.enqueue_dma source(%dma_start3A_179 : memref<1x8x64xf32, #tpu.memory_space<hbm>>) target(%dma_start3A_176 : memref<1x8x64xf32, #tpu.memory_space<hbm>>) target_semaphore(%arg5 : memref<!tpu.dma_semaphore, #tpu.memory_space<semaphore_mem>>)
      %get3A_180 = arith.constant 18 : i32
      %get3A_181 = arith.index_cast %get3A_180 : i32 to index
      %get3A_182 = memref.load %arg4[%get3A_181] : memref<20xi32, #tpu.memory_space<smem>>
      %dma_start3A_183 = arith.constant 18 : i32
      %dma_start3A_184 = arith.constant 0 : i32
      %dma_start3A_185 = arith.constant 0 : i32
      %dma_start3A_186 = tpu.memref_slice %arg3[%dma_start3A_183, %dma_start3A_184, %dma_start3A_185] : memref<20x8x64xf32, #tpu.memory_space<hbm>> -> memref<1x8x64xf32, #tpu.memory_space<hbm>>
      %dma_start3A_187 = arith.constant 0 : i32
      %dma_start3A_188 = arith.constant 0 : i32
      %dma_start3A_189 = tpu.memref_slice %arg2[%get3A_182, %dma_start3A_187, %dma_start3A_188] : memref<12500x8x64xf32, #tpu.memory_space<hbm>> -> memref<1x8x64xf32, #tpu.memory_space<hbm>>
      tpu.enqueue_dma source(%dma_start3A_189 : memref<1x8x64xf32, #tpu.memory_space<hbm>>) target(%dma_start3A_186 : memref<1x8x64xf32, #tpu.memory_space<hbm>>) target_semaphore(%arg5 : memref<!tpu.dma_semaphore, #tpu.memory_space<semaphore_mem>>)
      %get3A_190 = arith.constant 19 : i32
      %get3A_191 = arith.index_cast %get3A_190 : i32 to index
      %get3A_192 = memref.load %arg4[%get3A_191] : memref<20xi32, #tpu.memory_space<smem>>
      %dma_start3A_193 = arith.constant 19 : i32
      %dma_start3A_194 = arith.constant 0 : i32
      %dma_start3A_195 = arith.constant 0 : i32
      %dma_start3A_196 = tpu.memref_slice %arg3[%dma_start3A_193, %dma_start3A_194, %dma_start3A_195] : memref<20x8x64xf32, #tpu.memory_space<hbm>> -> memref<1x8x64xf32, #tpu.memory_space<hbm>>
      %dma_start3A_197 = arith.constant 0 : i32
      %dma_start3A_198 = arith.constant 0 : i32
      %dma_start3A_199 = tpu.memref_slice %arg2[%get3A_192, %dma_start3A_197, %dma_start3A_198] : memref<12500x8x64xf32, #tpu.memory_space<hbm>> -> memref<1x8x64xf32, #tpu.memory_space<hbm>>
      tpu.enqueue_dma source(%dma_start3A_199 : memref<1x8x64xf32, #tpu.memory_space<hbm>>) target(%dma_start3A_196 : memref<1x8x64xf32, #tpu.memory_space<hbm>>) target_semaphore(%arg5 : memref<!tpu.dma_semaphore, #tpu.memory_space<semaphore_mem>>)
      %get3A_200 = arith.constant 0 : i32
      %get3A_201 = arith.index_cast %get3A_200 : i32 to index
      %get3A_202 = memref.load %arg4[%get3A_201] : memref<20xi32, #tpu.memory_space<smem>>
      %dma_wait3A = arith.constant 0 : i32
      %dma_wait3A_203 = arith.constant 0 : i32
      %dma_wait3A_204 = arith.constant 0 : i32
      %dma_wait3A_205 = tpu.memref_slice %arg3[%dma_wait3A, %dma_wait3A_203, %dma_wait3A_204] : memref<20x8x64xf32, #tpu.memory_space<hbm>> -> memref<1x8x64xf32, #tpu.memory_space<hbm>>
      %dma_wait3A_206 = arith.constant 0 : i32
      %dma_wait3A_207 = arith.constant 0 : i32
      %dma_wait3A_208 = tpu.memref_slice %arg2[%get3A_202, %dma_wait3A_206, %dma_wait3A_207] : memref<12500x8x64xf32, #tpu.memory_space<hbm>> -> memref<1x8x64xf32, #tpu.memory_space<hbm>>
      tpu.wait_dma2 semaphore(%arg5 : memref<!tpu.dma_semaphore, #tpu.memory_space<semaphore_mem>>) src(%dma_wait3A_208 : memref<1x8x64xf32, #tpu.memory_space<hbm>>) dst(%dma_wait3A_205 : memref<1x8x64xf32, #tpu.memory_space<hbm>>)
      %get3A_209 = arith.constant 1 : i32
      %get3A_210 = arith.index_cast %get3A_209 : i32 to index
      %get3A_211 = memref.load %arg4[%get3A_210] : memref<20xi32, #tpu.memory_space<smem>>
      %dma_wait3A_212 = arith.constant 1 : i32
      %dma_wait3A_213 = arith.constant 0 : i32
      %dma_wait3A_214 = arith.constant 0 : i32
      %dma_wait3A_215 = tpu.memref_slice %arg3[%dma_wait3A_212, %dma_wait3A_213, %dma_wait3A_214] : memref<20x8x64xf32, #tpu.memory_space<hbm>> -> memref<1x8x64xf32, #tpu.memory_space<hbm>>
      %dma_wait3A_216 = arith.constant 0 : i32
      %dma_wait3A_217 = arith.constant 0 : i32
      %dma_wait3A_218 = tpu.memref_slice %arg2[%get3A_211, %dma_wait3A_216, %dma_wait3A_217] : memref<12500x8x64xf32, #tpu.memory_space<hbm>> -> memref<1x8x64xf32, #tpu.memory_space<hbm>>
      tpu.wait_dma2 semaphore(%arg5 : memref<!tpu.dma_semaphore, #tpu.memory_space<semaphore_mem>>) src(%dma_wait3A_218 : memref<1x8x64xf32, #tpu.memory_space<hbm>>) dst(%dma_wait3A_215 : memref<1x8x64xf32, #tpu.memory_space<hbm>>)
      %get3A_219 = arith.constant 2 : i32
      %get3A_220 = arith.index_cast %get3A_219 : i32 to index
      %get3A_221 = memref.load %arg4[%get3A_220] : memref<20xi32, #tpu.memory_space<smem>>
      %dma_wait3A_222 = arith.constant 2 : i32
      %dma_wait3A_223 = arith.constant 0 : i32
      %dma_wait3A_224 = arith.constant 0 : i32
      %dma_wait3A_225 = tpu.memref_slice %arg3[%dma_wait3A_222, %dma_wait3A_223, %dma_wait3A_224] : memref<20x8x64xf32, #tpu.memory_space<hbm>> -> memref<1x8x64xf32, #tpu.memory_space<hbm>>
      %dma_wait3A_226 = arith.constant 0 : i32
      %dma_wait3A_227 = arith.constant 0 : i32
      %dma_wait3A_228 = tpu.memref_slice %arg2[%get3A_221, %dma_wait3A_226, %dma_wait3A_227] : memref<12500x8x64xf32, #tpu.memory_space<hbm>> -> memref<1x8x64xf32, #tpu.memory_space<hbm>>
      tpu.wait_dma2 semaphore(%arg5 : memref<!tpu.dma_semaphore, #tpu.memory_space<semaphore_mem>>) src(%dma_wait3A_228 : memref<1x8x64xf32, #tpu.memory_space<hbm>>) dst(%dma_wait3A_225 : memref<1x8x64xf32, #tpu.memory_space<hbm>>)
      %get3A_229 = arith.constant 3 : i32
      %get3A_230 = arith.index_cast %get3A_229 : i32 to index
      %get3A_231 = memref.load %arg4[%get3A_230] : memref<20xi32, #tpu.memory_space<smem>>
      %dma_wait3A_232 = arith.constant 3 : i32
      %dma_wait3A_233 = arith.constant 0 : i32
      %dma_wait3A_234 = arith.constant 0 : i32
      %dma_wait3A_235 = tpu.memref_slice %arg3[%dma_wait3A_232, %dma_wait3A_233, %dma_wait3A_234] : memref<20x8x64xf32, #tpu.memory_space<hbm>> -> memref<1x8x64xf32, #tpu.memory_space<hbm>>
      %dma_wait3A_236 = arith.constant 0 : i32
      %dma_wait3A_237 = arith.constant 0 : i32
      %dma_wait3A_238 = tpu.memref_slice %arg2[%get3A_231, %dma_wait3A_236, %dma_wait3A_237] : memref<12500x8x64xf32, #tpu.memory_space<hbm>> -> memref<1x8x64xf32, #tpu.memory_space<hbm>>
      tpu.wait_dma2 semaphore(%arg5 : memref<!tpu.dma_semaphore, #tpu.memory_space<semaphore_mem>>) src(%dma_wait3A_238 : memref<1x8x64xf32, #tpu.memory_space<hbm>>) dst(%dma_wait3A_235 : memref<1x8x64xf32, #tpu.memory_space<hbm>>)
      %get3A_239 = arith.constant 4 : i32
      %get3A_240 = arith.index_cast %get3A_239 : i32 to index
      %get3A_241 = memref.load %arg4[%get3A_240] : memref<20xi32, #tpu.memory_space<smem>>
      %dma_wait3A_242 = arith.constant 4 : i32
      %dma_wait3A_243 = arith.constant 0 : i32
      %dma_wait3A_244 = arith.constant 0 : i32
      %dma_wait3A_245 = tpu.memref_slice %arg3[%dma_wait3A_242, %dma_wait3A_243, %dma_wait3A_244] : memref<20x8x64xf32, #tpu.memory_space<hbm>> -> memref<1x8x64xf32, #tpu.memory_space<hbm>>
      %dma_wait3A_246 = arith.constant 0 : i32
      %dma_wait3A_247 = arith.constant 0 : i32
      %dma_wait3A_248 = tpu.memref_slice %arg2[%get3A_241, %dma_wait3A_246, %dma_wait3A_247] : memref<12500x8x64xf32, #tpu.memory_space<hbm>> -> memref<1x8x64xf32, #tpu.memory_space<hbm>>
      tpu.wait_dma2 semaphore(%arg5 : memref<!tpu.dma_semaphore, #tpu.memory_space<semaphore_mem>>) src(%dma_wait3A_248 : memref<1x8x64xf32, #tpu.memory_space<hbm>>) dst(%dma_wait3A_245 : memref<1x8x64xf32, #tpu.memory_space<hbm>>)
      %get3A_249 = arith.constant 5 : i32
      %get3A_250 = arith.index_cast %get3A_249 : i32 to index
      %get3A_251 = memref.load %arg4[%get3A_250] : memref<20xi32, #tpu.memory_space<smem>>
      %dma_wait3A_252 = arith.constant 5 : i32
      %dma_wait3A_253 = arith.constant 0 : i32
      %dma_wait3A_254 = arith.constant 0 : i32
      %dma_wait3A_255 = tpu.memref_slice %arg3[%dma_wait3A_252, %dma_wait3A_253, %dma_wait3A_254] : memref<20x8x64xf32, #tpu.memory_space<hbm>> -> memref<1x8x64xf32, #tpu.memory_space<hbm>>
      %dma_wait3A_256 = arith.constant 0 : i32
      %dma_wait3A_257 = arith.constant 0 : i32
      %dma_wait3A_258 = tpu.memref_slice %arg2[%get3A_251, %dma_wait3A_256, %dma_wait3A_257] : memref<12500x8x64xf32, #tpu.memory_space<hbm>> -> memref<1x8x64xf32, #tpu.memory_space<hbm>>
      tpu.wait_dma2 semaphore(%arg5 : memref<!tpu.dma_semaphore, #tpu.memory_space<semaphore_mem>>) src(%dma_wait3A_258 : memref<1x8x64xf32, #tpu.memory_space<hbm>>) dst(%dma_wait3A_255 : memref<1x8x64xf32, #tpu.memory_space<hbm>>)
      %get3A_259 = arith.constant 6 : i32
      %get3A_260 = arith.index_cast %get3A_259 : i32 to index
      %get3A_261 = memref.load %arg4[%get3A_260] : memref<20xi32, #tpu.memory_space<smem>>
      %dma_wait3A_262 = arith.constant 6 : i32
      %dma_wait3A_263 = arith.constant 0 : i32
      %dma_wait3A_264 = arith.constant 0 : i32
      %dma_wait3A_265 = tpu.memref_slice %arg3[%dma_wait3A_262, %dma_wait3A_263, %dma_wait3A_264] : memref<20x8x64xf32, #tpu.memory_space<hbm>> -> memref<1x8x64xf32, #tpu.memory_space<hbm>>
      %dma_wait3A_266 = arith.constant 0 : i32
      %dma_wait3A_267 = arith.constant 0 : i32
      %dma_wait3A_268 = tpu.memref_slice %arg2[%get3A_261, %dma_wait3A_266, %dma_wait3A_267] : memref<12500x8x64xf32, #tpu.memory_space<hbm>> -> memref<1x8x64xf32, #tpu.memory_space<hbm>>
      tpu.wait_dma2 semaphore(%arg5 : memref<!tpu.dma_semaphore, #tpu.memory_space<semaphore_mem>>) src(%dma_wait3A_268 : memref<1x8x64xf32, #tpu.memory_space<hbm>>) dst(%dma_wait3A_265 : memref<1x8x64xf32, #tpu.memory_space<hbm>>)
      %get3A_269 = arith.constant 7 : i32
      %get3A_270 = arith.index_cast %get3A_269 : i32 to index
      %get3A_271 = memref.load %arg4[%get3A_270] : memref<20xi32, #tpu.memory_space<smem>>
      %dma_wait3A_272 = arith.constant 7 : i32
      %dma_wait3A_273 = arith.constant 0 : i32
      %dma_wait3A_274 = arith.constant 0 : i32
      %dma_wait3A_275 = tpu.memref_slice %arg3[%dma_wait3A_272, %dma_wait3A_273, %dma_wait3A_274] : memref<20x8x64xf32, #tpu.memory_space<hbm>> -> memref<1x8x64xf32, #tpu.memory_space<hbm>>
      %dma_wait3A_276 = arith.constant 0 : i32
      %dma_wait3A_277 = arith.constant 0 : i32
      %dma_wait3A_278 = tpu.memref_slice %arg2[%get3A_271, %dma_wait3A_276, %dma_wait3A_277] : memref<12500x8x64xf32, #tpu.memory_space<hbm>> -> memref<1x8x64xf32, #tpu.memory_space<hbm>>
      tpu.wait_dma2 semaphore(%arg5 : memref<!tpu.dma_semaphore, #tpu.memory_space<semaphore_mem>>) src(%dma_wait3A_278 : memref<1x8x64xf32, #tpu.memory_space<hbm>>) dst(%dma_wait3A_275 : memref<1x8x64xf32, #tpu.memory_space<hbm>>)
      %get3A_279 = arith.constant 8 : i32
      %get3A_280 = arith.index_cast %get3A_279 : i32 to index
      %get3A_281 = memref.load %arg4[%get3A_280] : memref<20xi32, #tpu.memory_space<smem>>
      %dma_wait3A_282 = arith.constant 8 : i32
      %dma_wait3A_283 = arith.constant 0 : i32
      %dma_wait3A_284 = arith.constant 0 : i32
      %dma_wait3A_285 = tpu.memref_slice %arg3[%dma_wait3A_282, %dma_wait3A_283, %dma_wait3A_284] : memref<20x8x64xf32, #tpu.memory_space<hbm>> -> memref<1x8x64xf32, #tpu.memory_space<hbm>>
      %dma_wait3A_286 = arith.constant 0 : i32
      %dma_wait3A_287 = arith.constant 0 : i32
      %dma_wait3A_288 = tpu.memref_slice %arg2[%get3A_281, %dma_wait3A_286, %dma_wait3A_287] : memref<12500x8x64xf32, #tpu.memory_space<hbm>> -> memref<1x8x64xf32, #tpu.memory_space<hbm>>
      tpu.wait_dma2 semaphore(%arg5 : memref<!tpu.dma_semaphore, #tpu.memory_space<semaphore_mem>>) src(%dma_wait3A_288 : memref<1x8x64xf32, #tpu.memory_space<hbm>>) dst(%dma_wait3A_285 : memref<1x8x64xf32, #tpu.memory_space<hbm>>)
      %get3A_289 = arith.constant 9 : i32
      %get3A_290 = arith.index_cast %get3A_289 : i32 to index
      %get3A_291 = memref.load %arg4[%get3A_290] : memref<20xi32, #tpu.memory_space<smem>>
      %dma_wait3A_292 = arith.constant 9 : i32
      %dma_wait3A_293 = arith.constant 0 : i32
      %dma_wait3A_294 = arith.constant 0 : i32
      %dma_wait3A_295 = tpu.memref_slice %arg3[%dma_wait3A_292, %dma_wait3A_293, %dma_wait3A_294] : memref<20x8x64xf32, #tpu.memory_space<hbm>> -> memref<1x8x64xf32, #tpu.memory_space<hbm>>
      %dma_wait3A_296 = arith.constant 0 : i32
      %dma_wait3A_297 = arith.constant 0 : i32
      %dma_wait3A_298 = tpu.memref_slice %arg2[%get3A_291, %dma_wait3A_296, %dma_wait3A_297] : memref<12500x8x64xf32, #tpu.memory_space<hbm>> -> memref<1x8x64xf32, #tpu.memory_space<hbm>>
      tpu.wait_dma2 semaphore(%arg5 : memref<!tpu.dma_semaphore, #tpu.memory_space<semaphore_mem>>) src(%dma_wait3A_298 : memref<1x8x64xf32, #tpu.memory_space<hbm>>) dst(%dma_wait3A_295 : memref<1x8x64xf32, #tpu.memory_space<hbm>>)
      %get3A_299 = arith.constant 10 : i32
      %get3A_300 = arith.index_cast %get3A_299 : i32 to index
      %get3A_301 = memref.load %arg4[%get3A_300] : memref<20xi32, #tpu.memory_space<smem>>
      %dma_wait3A_302 = arith.constant 10 : i32
      %dma_wait3A_303 = arith.constant 0 : i32
      %dma_wait3A_304 = arith.constant 0 : i32
      %dma_wait3A_305 = tpu.memref_slice %arg3[%dma_wait3A_302, %dma_wait3A_303, %dma_wait3A_304] : memref<20x8x64xf32, #tpu.memory_space<hbm>> -> memref<1x8x64xf32, #tpu.memory_space<hbm>>
      %dma_wait3A_306 = arith.constant 0 : i32
      %dma_wait3A_307 = arith.constant 0 : i32
      %dma_wait3A_308 = tpu.memref_slice %arg2[%get3A_301, %dma_wait3A_306, %dma_wait3A_307] : memref<12500x8x64xf32, #tpu.memory_space<hbm>> -> memref<1x8x64xf32, #tpu.memory_space<hbm>>
      tpu.wait_dma2 semaphore(%arg5 : memref<!tpu.dma_semaphore, #tpu.memory_space<semaphore_mem>>) src(%dma_wait3A_308 : memref<1x8x64xf32, #tpu.memory_space<hbm>>) dst(%dma_wait3A_305 : memref<1x8x64xf32, #tpu.memory_space<hbm>>)
      %get3A_309 = arith.constant 11 : i32
      %get3A_310 = arith.index_cast %get3A_309 : i32 to index
      %get3A_311 = memref.load %arg4[%get3A_310] : memref<20xi32, #tpu.memory_space<smem>>
      %dma_wait3A_312 = arith.constant 11 : i32
      %dma_wait3A_313 = arith.constant 0 : i32
      %dma_wait3A_314 = arith.constant 0 : i32
      %dma_wait3A_315 = tpu.memref_slice %arg3[%dma_wait3A_312, %dma_wait3A_313, %dma_wait3A_314] : memref<20x8x64xf32, #tpu.memory_space<hbm>> -> memref<1x8x64xf32, #tpu.memory_space<hbm>>
      %dma_wait3A_316 = arith.constant 0 : i32
      %dma_wait3A_317 = arith.constant 0 : i32
      %dma_wait3A_318 = tpu.memref_slice %arg2[%get3A_311, %dma_wait3A_316, %dma_wait3A_317] : memref<12500x8x64xf32, #tpu.memory_space<hbm>> -> memref<1x8x64xf32, #tpu.memory_space<hbm>>
      tpu.wait_dma2 semaphore(%arg5 : memref<!tpu.dma_semaphore, #tpu.memory_space<semaphore_mem>>) src(%dma_wait3A_318 : memref<1x8x64xf32, #tpu.memory_space<hbm>>) dst(%dma_wait3A_315 : memref<1x8x64xf32, #tpu.memory_space<hbm>>)
      %get3A_319 = arith.constant 12 : i32
      %get3A_320 = arith.index_cast %get3A_319 : i32 to index
      %get3A_321 = memref.load %arg4[%get3A_320] : memref<20xi32, #tpu.memory_space<smem>>
      %dma_wait3A_322 = arith.constant 12 : i32
      %dma_wait3A_323 = arith.constant 0 : i32
      %dma_wait3A_324 = arith.constant 0 : i32
      %dma_wait3A_325 = tpu.memref_slice %arg3[%dma_wait3A_322, %dma_wait3A_323, %dma_wait3A_324] : memref<20x8x64xf32, #tpu.memory_space<hbm>> -> memref<1x8x64xf32, #tpu.memory_space<hbm>>
      %dma_wait3A_326 = arith.constant 0 : i32
      %dma_wait3A_327 = arith.constant 0 : i32
      %dma_wait3A_328 = tpu.memref_slice %arg2[%get3A_321, %dma_wait3A_326, %dma_wait3A_327] : memref<12500x8x64xf32, #tpu.memory_space<hbm>> -> memref<1x8x64xf32, #tpu.memory_space<hbm>>
      tpu.wait_dma2 semaphore(%arg5 : memref<!tpu.dma_semaphore, #tpu.memory_space<semaphore_mem>>) src(%dma_wait3A_328 : memref<1x8x64xf32, #tpu.memory_space<hbm>>) dst(%dma_wait3A_325 : memref<1x8x64xf32, #tpu.memory_space<hbm>>)
      %get3A_329 = arith.constant 13 : i32
      %get3A_330 = arith.index_cast %get3A_329 : i32 to index
      %get3A_331 = memref.load %arg4[%get3A_330] : memref<20xi32, #tpu.memory_space<smem>>
      %dma_wait3A_332 = arith.constant 13 : i32
      %dma_wait3A_333 = arith.constant 0 : i32
      %dma_wait3A_334 = arith.constant 0 : i32
      %dma_wait3A_335 = tpu.memref_slice %arg3[%dma_wait3A_332, %dma_wait3A_333, %dma_wait3A_334] : memref<20x8x64xf32, #tpu.memory_space<hbm>> -> memref<1x8x64xf32, #tpu.memory_space<hbm>>
      %dma_wait3A_336 = arith.constant 0 : i32
      %dma_wait3A_337 = arith.constant 0 : i32
      %dma_wait3A_338 = tpu.memref_slice %arg2[%get3A_331, %dma_wait3A_336, %dma_wait3A_337] : memref<12500x8x64xf32, #tpu.memory_space<hbm>> -> memref<1x8x64xf32, #tpu.memory_space<hbm>>
      tpu.wait_dma2 semaphore(%arg5 : memref<!tpu.dma_semaphore, #tpu.memory_space<semaphore_mem>>) src(%dma_wait3A_338 : memref<1x8x64xf32, #tpu.memory_space<hbm>>) dst(%dma_wait3A_335 : memref<1x8x64xf32, #tpu.memory_space<hbm>>)
      %get3A_339 = arith.constant 14 : i32
      %get3A_340 = arith.index_cast %get3A_339 : i32 to index
      %get3A_341 = memref.load %arg4[%get3A_340] : memref<20xi32, #tpu.memory_space<smem>>
      %dma_wait3A_342 = arith.constant 14 : i32
      %dma_wait3A_343 = arith.constant 0 : i32
      %dma_wait3A_344 = arith.constant 0 : i32
      %dma_wait3A_345 = tpu.memref_slice %arg3[%dma_wait3A_342, %dma_wait3A_343, %dma_wait3A_344] : memref<20x8x64xf32, #tpu.memory_space<hbm>> -> memref<1x8x64xf32, #tpu.memory_space<hbm>>
      %dma_wait3A_346 = arith.constant 0 : i32
      %dma_wait3A_347 = arith.constant 0 : i32
      %dma_wait3A_348 = tpu.memref_slice %arg2[%get3A_341, %dma_wait3A_346, %dma_wait3A_347] : memref<12500x8x64xf32, #tpu.memory_space<hbm>> -> memref<1x8x64xf32, #tpu.memory_space<hbm>>
      tpu.wait_dma2 semaphore(%arg5 : memref<!tpu.dma_semaphore, #tpu.memory_space<semaphore_mem>>) src(%dma_wait3A_348 : memref<1x8x64xf32, #tpu.memory_space<hbm>>) dst(%dma_wait3A_345 : memref<1x8x64xf32, #tpu.memory_space<hbm>>)
      %get3A_349 = arith.constant 15 : i32
      %get3A_350 = arith.index_cast %get3A_349 : i32 to index
      %get3A_351 = memref.load %arg4[%get3A_350] : memref<20xi32, #tpu.memory_space<smem>>
      %dma_wait3A_352 = arith.constant 15 : i32
      %dma_wait3A_353 = arith.constant 0 : i32
      %dma_wait3A_354 = arith.constant 0 : i32
      %dma_wait3A_355 = tpu.memref_slice %arg3[%dma_wait3A_352, %dma_wait3A_353, %dma_wait3A_354] : memref<20x8x64xf32, #tpu.memory_space<hbm>> -> memref<1x8x64xf32, #tpu.memory_space<hbm>>
      %dma_wait3A_356 = arith.constant 0 : i32
      %dma_wait3A_357 = arith.constant 0 : i32
      %dma_wait3A_358 = tpu.memref_slice %arg2[%get3A_351, %dma_wait3A_356, %dma_wait3A_357] : memref<12500x8x64xf32, #tpu.memory_space<hbm>> -> memref<1x8x64xf32, #tpu.memory_space<hbm>>
      tpu.wait_dma2 semaphore(%arg5 : memref<!tpu.dma_semaphore, #tpu.memory_space<semaphore_mem>>) src(%dma_wait3A_358 : memref<1x8x64xf32, #tpu.memory_space<hbm>>) dst(%dma_wait3A_355 : memref<1x8x64xf32, #tpu.memory_space<hbm>>)
      %get3A_359 = arith.constant 16 : i32
      %get3A_360 = arith.index_cast %get3A_359 : i32 to index
      %get3A_361 = memref.load %arg4[%get3A_360] : memref<20xi32, #tpu.memory_space<smem>>
      %dma_wait3A_362 = arith.constant 16 : i32
      %dma_wait3A_363 = arith.constant 0 : i32
      %dma_wait3A_364 = arith.constant 0 : i32
      %dma_wait3A_365 = tpu.memref_slice %arg3[%dma_wait3A_362, %dma_wait3A_363, %dma_wait3A_364] : memref<20x8x64xf32, #tpu.memory_space<hbm>> -> memref<1x8x64xf32, #tpu.memory_space<hbm>>
      %dma_wait3A_366 = arith.constant 0 : i32
      %dma_wait3A_367 = arith.constant 0 : i32
      %dma_wait3A_368 = tpu.memref_slice %arg2[%get3A_361, %dma_wait3A_366, %dma_wait3A_367] : memref<12500x8x64xf32, #tpu.memory_space<hbm>> -> memref<1x8x64xf32, #tpu.memory_space<hbm>>
      tpu.wait_dma2 semaphore(%arg5 : memref<!tpu.dma_semaphore, #tpu.memory_space<semaphore_mem>>) src(%dma_wait3A_368 : memref<1x8x64xf32, #tpu.memory_space<hbm>>) dst(%dma_wait3A_365 : memref<1x8x64xf32, #tpu.memory_space<hbm>>)
      %get3A_369 = arith.constant 17 : i32
      %get3A_370 = arith.index_cast %get3A_369 : i32 to index
      %get3A_371 = memref.load %arg4[%get3A_370] : memref<20xi32, #tpu.memory_space<smem>>
      %dma_wait3A_372 = arith.constant 17 : i32
      %dma_wait3A_373 = arith.constant 0 : i32
      %dma_wait3A_374 = arith.constant 0 : i32
      %dma_wait3A_375 = tpu.memref_slice %arg3[%dma_wait3A_372, %dma_wait3A_373, %dma_wait3A_374] : memref<20x8x64xf32, #tpu.memory_space<hbm>> -> memref<1x8x64xf32, #tpu.memory_space<hbm>>
      %dma_wait3A_376 = arith.constant 0 : i32
      %dma_wait3A_377 = arith.constant 0 : i32
      %dma_wait3A_378 = tpu.memref_slice %arg2[%get3A_371, %dma_wait3A_376, %dma_wait3A_377] : memref<12500x8x64xf32, #tpu.memory_space<hbm>> -> memref<1x8x64xf32, #tpu.memory_space<hbm>>
      tpu.wait_dma2 semaphore(%arg5 : memref<!tpu.dma_semaphore, #tpu.memory_space<semaphore_mem>>) src(%dma_wait3A_378 : memref<1x8x64xf32, #tpu.memory_space<hbm>>) dst(%dma_wait3A_375 : memref<1x8x64xf32, #tpu.memory_space<hbm>>)
      %get3A_379 = arith.constant 18 : i32
      %get3A_380 = arith.index_cast %get3A_379 : i32 to index
      %get3A_381 = memref.load %arg4[%get3A_380] : memref<20xi32, #tpu.memory_space<smem>>
      %dma_wait3A_382 = arith.constant 18 : i32
      %dma_wait3A_383 = arith.constant 0 : i32
      %dma_wait3A_384 = arith.constant 0 : i32
      %dma_wait3A_385 = tpu.memref_slice %arg3[%dma_wait3A_382, %dma_wait3A_383, %dma_wait3A_384] : memref<20x8x64xf32, #tpu.memory_space<hbm>> -> memref<1x8x64xf32, #tpu.memory_space<hbm>>
      %dma_wait3A_386 = arith.constant 0 : i32
      %dma_wait3A_387 = arith.constant 0 : i32
      %dma_wait3A_388 = tpu.memref_slice %arg2[%get3A_381, %dma_wait3A_386, %dma_wait3A_387] : memref<12500x8x64xf32, #tpu.memory_space<hbm>> -> memref<1x8x64xf32, #tpu.memory_space<hbm>>
      tpu.wait_dma2 semaphore(%arg5 : memref<!tpu.dma_semaphore, #tpu.memory_space<semaphore_mem>>) src(%dma_wait3A_388 : memref<1x8x64xf32, #tpu.memory_space<hbm>>) dst(%dma_wait3A_385 : memref<1x8x64xf32, #tpu.memory_space<hbm>>)
      %get3A_389 = arith.constant 19 : i32
      %get3A_390 = arith.index_cast %get3A_389 : i32 to index
      %get3A_391 = memref.load %arg4[%get3A_390] : memref<20xi32, #tpu.memory_space<smem>>
      %dma_wait3A_392 = arith.constant 19 : i32
      %dma_wait3A_393 = arith.constant 0 : i32
      %dma_wait3A_394 = arith.constant 0 : i32
      %dma_wait3A_395 = tpu.memref_slice %arg3[%dma_wait3A_392, %dma_wait3A_393, %dma_wait3A_394] : memref<20x8x64xf32, #tpu.memory_space<hbm>> -> memref<1x8x64xf32, #tpu.memory_space<hbm>>
      %dma_wait3A_396 = arith.constant 0 : i32
      %dma_wait3A_397 = arith.constant 0 : i32
      %dma_wait3A_398 = tpu.memref_slice %arg2[%get3A_391, %dma_wait3A_396, %dma_wait3A_397] : memref<12500x8x64xf32, #tpu.memory_space<hbm>> -> memref<1x8x64xf32, #tpu.memory_space<hbm>>
      tpu.wait_dma2 semaphore(%arg5 : memref<!tpu.dma_semaphore, #tpu.memory_space<semaphore_mem>>) src(%dma_wait3A_398 : memref<1x8x64xf32, #tpu.memory_space<hbm>>) dst(%dma_wait3A_395 : memref<1x8x64xf32, #tpu.memory_space<hbm>>)
    } else {
    }
    return
  }
}

module attributes {stable_mosaic.version = 14 : i64} {
  func.func @_tc_body(%arg0: memref<160x64xf32, #tpu.memory_space<vmem>>, %arg1: memref<160x1xf32, #tpu.memory_space<vmem>>, %arg2: memref<20x64x128xf32, #tpu.memory_space<vmem>>, %arg3: memref<128x1xf32, #tpu.memory_space<vmem>>, %arg4: memref<1x100000xf32, #tpu.memory_space<vmem>>, %arg5: memref<128x100000xf32, #tpu.memory_space<any>>, %arg6: memref<1x100000xf32, #tpu.memory_space<vmem>>, %arg7: memref<128x1xf32, #tpu.memory_space<vmem>>, %arg8: memref<1x128xf32, #tpu.memory_space<vmem>>, %arg9: memref<1x128xf32, #tpu.memory_space<vmem>>, %arg10: memref<128x2048xf32, #tpu.memory_space<vmem>>, %arg11: memref<128x2048xf32, #tpu.memory_space<vmem>>, %arg12: memref<128x2048xf32, #tpu.memory_space<vmem>>, %arg13: memref<128x2048xf32, #tpu.memory_space<vmem>>, %arg14: memref<128x1696xf32, #tpu.memory_space<vmem>>, %arg15: memref<!tpu.dma_semaphore, #tpu.memory_space<semaphore_mem>>, %arg16: memref<!tpu.dma_semaphore, #tpu.memory_space<semaphore_mem>>, %arg17: memref<!tpu.dma_semaphore, #tpu.memory_space<semaphore_mem>>, %arg18: memref<!tpu.dma_semaphore, #tpu.memory_space<semaphore_mem>>, %arg19: memref<!tpu.dma_semaphore, #tpu.memory_space<semaphore_mem>>) attributes {dimension_semantics = [], scalar_prefetch = 0 : i64, scratch_operands = 13 : i64, tpu.core_type = #tpu.core_type<tc>} {
    %dma_start3A = arith.constant 0 : i32
    %dma_start3A_0 = arith.constant 0 : i32
    %dma_start3A_1 = tpu.memref_slice %arg5[%dma_start3A, %dma_start3A_0] : memref<128x100000xf32, #tpu.memory_space<any>> -> memref<128x2048xf32, #tpu.memory_space<any>>
    tpu.enqueue_dma source(%dma_start3A_1 : memref<128x2048xf32, #tpu.memory_space<any>>) target(%arg10 : memref<128x2048xf32, #tpu.memory_space<vmem>>) target_semaphore(%arg15 : memref<!tpu.dma_semaphore, #tpu.memory_space<semaphore_mem>>)
    %dma_start3A_2 = arith.constant 0 : i32
    %dma_start3A_3 = arith.constant 2048 : i32
    %dma_start3A_4 = tpu.memref_slice %arg5[%dma_start3A_2, %dma_start3A_3] : memref<128x100000xf32, #tpu.memory_space<any>> -> memref<128x2048xf32, #tpu.memory_space<any>>
    tpu.enqueue_dma source(%dma_start3A_4 : memref<128x2048xf32, #tpu.memory_space<any>>) target(%arg11 : memref<128x2048xf32, #tpu.memory_space<vmem>>) target_semaphore(%arg16 : memref<!tpu.dma_semaphore, #tpu.memory_space<semaphore_mem>>)
    %dma_start3A_5 = arith.constant 0 : i32
    %dma_start3A_6 = arith.constant 4096 : i32
    %dma_start3A_7 = tpu.memref_slice %arg5[%dma_start3A_5, %dma_start3A_6] : memref<128x100000xf32, #tpu.memory_space<any>> -> memref<128x2048xf32, #tpu.memory_space<any>>
    tpu.enqueue_dma source(%dma_start3A_7 : memref<128x2048xf32, #tpu.memory_space<any>>) target(%arg12 : memref<128x2048xf32, #tpu.memory_space<vmem>>) target_semaphore(%arg17 : memref<!tpu.dma_semaphore, #tpu.memory_space<semaphore_mem>>)
    %dma_start3A_8 = arith.constant 0 : i32
    %dma_start3A_9 = arith.constant 6144 : i32
    %dma_start3A_10 = tpu.memref_slice %arg5[%dma_start3A_8, %dma_start3A_9] : memref<128x100000xf32, #tpu.memory_space<any>> -> memref<128x2048xf32, #tpu.memory_space<any>>
    tpu.enqueue_dma source(%dma_start3A_10 : memref<128x2048xf32, #tpu.memory_space<any>>) target(%arg13 : memref<128x2048xf32, #tpu.memory_space<vmem>>) target_semaphore(%arg18 : memref<!tpu.dma_semaphore, #tpu.memory_space<semaphore_mem>>)
    %dma_start3A_11 = arith.constant 0 : i32
    %dma_start3A_12 = arith.constant 98304 : i32
    %dma_start3A_13 = tpu.memref_slice %arg5[%dma_start3A_11, %dma_start3A_12] : memref<128x100000xf32, #tpu.memory_space<any>> -> memref<128x1696xf32, #tpu.memory_space<any>>
    tpu.enqueue_dma source(%dma_start3A_13 : memref<128x1696xf32, #tpu.memory_space<any>>) target(%arg14 : memref<128x1696xf32, #tpu.memory_space<vmem>>) target_semaphore(%arg19 : memref<!tpu.dma_semaphore, #tpu.memory_space<semaphore_mem>>)
    %get3A = arith.constant 0 : index
    %get3A_14 = arith.constant 0 : index
    %get3A_15 = vector.load %arg0[%get3A, %get3A_14] : memref<160x64xf32, #tpu.memory_space<vmem>>, vector<160x64xf32>
    %get3A_16 = arith.constant 0 : index
    %get3A_17 = arith.constant 0 : index
    %get3A_18 = vector.load %arg1[%get3A_16, %get3A_17] : memref<160x1xf32, #tpu.memory_space<vmem>>, vector<160x1xf32>
    %mul3A = vector.broadcast %get3A_18 : vector<160x1xf32> to vector<160x64xf32>
    %mul3A_19 = arith.mulf %get3A_15, %mul3A : vector<160x64xf32>
    %get3A_20 = arith.constant 0 : index
    %get3A_21 = arith.constant 0 : index
    %get3A_22 = vector.load %arg3[%get3A_20, %get3A_21] : memref<128x1xf32, #tpu.memory_space<vmem>>, vector<128x1xf32>
    %slice3A = vector.extract_strided_slice %mul3A_19 {offsets = [0, 0], sizes = [8, 64], strides = [1, 1]} : vector<160x64xf32> to vector<8x64xf32>
    %reduce_sum3A = arith.constant dense<0.000000e+00> : vector<64xf32>
    %reduce_sum3A_23 = vector.multi_reduction <add>, %slice3A, %reduce_sum3A [0] : vector<8x64xf32> to vector<64xf32>
    %broadcast_in_dim3A = vector.shape_cast %reduce_sum3A_23 : vector<64xf32> to vector<1x64xf32>
    %get3A_24 = arith.constant 0 : index
    %get3A_25 = arith.constant 0 : index
    %get3A_26 = arith.constant 0 : index
    %get3A_27 = vector.load %arg2[%get3A_24, %get3A_25, %get3A_26] : memref<20x64x128xf32, #tpu.memory_space<vmem>>, vector<1x64x128xf32>
    %get3A_28 = vector.shape_cast %get3A_27 : vector<1x64x128xf32> to vector<64x128xf32>
    %dot_general3A = arith.constant dense<0.000000e+00> : vector<128x1xf32>
    %dot_general3A_29 = tpu.matmul %get3A_28, %broadcast_in_dim3A, %dot_general3A {dimension_numbers = #tpu.dot_dimension_numbers<[0], [1], [1], [0], [0, 1, 1, 0], [], []>, transpose_lhs_hint = false} : vector<64x128xf32>, vector<1x64xf32>, vector<128x1xf32> -> vector<128x1xf32>
    %add3A = arith.addf %get3A_22, %dot_general3A_29 : vector<128x1xf32>
    %slice3A_30 = vector.extract_strided_slice %mul3A_19 {offsets = [8, 0], sizes = [8, 64], strides = [1, 1]} : vector<160x64xf32> to vector<8x64xf32>
    %reduce_sum3A_31 = arith.constant dense<0.000000e+00> : vector<64xf32>
    %reduce_sum3A_32 = vector.multi_reduction <add>, %slice3A_30, %reduce_sum3A_31 [0] : vector<8x64xf32> to vector<64xf32>
    %broadcast_in_dim3A_33 = vector.shape_cast %reduce_sum3A_32 : vector<64xf32> to vector<1x64xf32>
    %get3A_34 = arith.constant 1 : index
    %get3A_35 = arith.constant 0 : index
    %get3A_36 = arith.constant 0 : index
    %get3A_37 = vector.load %arg2[%get3A_34, %get3A_35, %get3A_36] : memref<20x64x128xf32, #tpu.memory_space<vmem>>, vector<1x64x128xf32>
    %get3A_38 = vector.shape_cast %get3A_37 : vector<1x64x128xf32> to vector<64x128xf32>
    %dot_general3A_39 = arith.constant dense<0.000000e+00> : vector<128x1xf32>
    %dot_general3A_40 = tpu.matmul %get3A_38, %broadcast_in_dim3A_33, %dot_general3A_39 {dimension_numbers = #tpu.dot_dimension_numbers<[0], [1], [1], [0], [0, 1, 1, 0], [], []>, transpose_lhs_hint = false} : vector<64x128xf32>, vector<1x64xf32>, vector<128x1xf32> -> vector<128x1xf32>
    %add3A_41 = arith.addf %add3A, %dot_general3A_40 : vector<128x1xf32>
    %slice3A_42 = vector.extract_strided_slice %mul3A_19 {offsets = [16, 0], sizes = [8, 64], strides = [1, 1]} : vector<160x64xf32> to vector<8x64xf32>
    %reduce_sum3A_43 = arith.constant dense<0.000000e+00> : vector<64xf32>
    %reduce_sum3A_44 = vector.multi_reduction <add>, %slice3A_42, %reduce_sum3A_43 [0] : vector<8x64xf32> to vector<64xf32>
    %broadcast_in_dim3A_45 = vector.shape_cast %reduce_sum3A_44 : vector<64xf32> to vector<1x64xf32>
    %get3A_46 = arith.constant 2 : index
    %get3A_47 = arith.constant 0 : index
    %get3A_48 = arith.constant 0 : index
    %get3A_49 = vector.load %arg2[%get3A_46, %get3A_47, %get3A_48] : memref<20x64x128xf32, #tpu.memory_space<vmem>>, vector<1x64x128xf32>
    %get3A_50 = vector.shape_cast %get3A_49 : vector<1x64x128xf32> to vector<64x128xf32>
    %dot_general3A_51 = arith.constant dense<0.000000e+00> : vector<128x1xf32>
    %dot_general3A_52 = tpu.matmul %get3A_50, %broadcast_in_dim3A_45, %dot_general3A_51 {dimension_numbers = #tpu.dot_dimension_numbers<[0], [1], [1], [0], [0, 1, 1, 0], [], []>, transpose_lhs_hint = false} : vector<64x128xf32>, vector<1x64xf32>, vector<128x1xf32> -> vector<128x1xf32>
    %add3A_53 = arith.addf %add3A_41, %dot_general3A_52 : vector<128x1xf32>
    %slice3A_54 = vector.extract_strided_slice %mul3A_19 {offsets = [24, 0], sizes = [8, 64], strides = [1, 1]} : vector<160x64xf32> to vector<8x64xf32>
    %reduce_sum3A_55 = arith.constant dense<0.000000e+00> : vector<64xf32>
    %reduce_sum3A_56 = vector.multi_reduction <add>, %slice3A_54, %reduce_sum3A_55 [0] : vector<8x64xf32> to vector<64xf32>
    %broadcast_in_dim3A_57 = vector.shape_cast %reduce_sum3A_56 : vector<64xf32> to vector<1x64xf32>
    %get3A_58 = arith.constant 3 : index
    %get3A_59 = arith.constant 0 : index
    %get3A_60 = arith.constant 0 : index
    %get3A_61 = vector.load %arg2[%get3A_58, %get3A_59, %get3A_60] : memref<20x64x128xf32, #tpu.memory_space<vmem>>, vector<1x64x128xf32>
    %get3A_62 = vector.shape_cast %get3A_61 : vector<1x64x128xf32> to vector<64x128xf32>
    %dot_general3A_63 = arith.constant dense<0.000000e+00> : vector<128x1xf32>
    %dot_general3A_64 = tpu.matmul %get3A_62, %broadcast_in_dim3A_57, %dot_general3A_63 {dimension_numbers = #tpu.dot_dimension_numbers<[0], [1], [1], [0], [0, 1, 1, 0], [], []>, transpose_lhs_hint = false} : vector<64x128xf32>, vector<1x64xf32>, vector<128x1xf32> -> vector<128x1xf32>
    %add3A_65 = arith.addf %add3A_53, %dot_general3A_64 : vector<128x1xf32>
    %slice3A_66 = vector.extract_strided_slice %mul3A_19 {offsets = [32, 0], sizes = [8, 64], strides = [1, 1]} : vector<160x64xf32> to vector<8x64xf32>
    %reduce_sum3A_67 = arith.constant dense<0.000000e+00> : vector<64xf32>
    %reduce_sum3A_68 = vector.multi_reduction <add>, %slice3A_66, %reduce_sum3A_67 [0] : vector<8x64xf32> to vector<64xf32>
    %broadcast_in_dim3A_69 = vector.shape_cast %reduce_sum3A_68 : vector<64xf32> to vector<1x64xf32>
    %get3A_70 = arith.constant 4 : index
    %get3A_71 = arith.constant 0 : index
    %get3A_72 = arith.constant 0 : index
    %get3A_73 = vector.load %arg2[%get3A_70, %get3A_71, %get3A_72] : memref<20x64x128xf32, #tpu.memory_space<vmem>>, vector<1x64x128xf32>
    %get3A_74 = vector.shape_cast %get3A_73 : vector<1x64x128xf32> to vector<64x128xf32>
    %dot_general3A_75 = arith.constant dense<0.000000e+00> : vector<128x1xf32>
    %dot_general3A_76 = tpu.matmul %get3A_74, %broadcast_in_dim3A_69, %dot_general3A_75 {dimension_numbers = #tpu.dot_dimension_numbers<[0], [1], [1], [0], [0, 1, 1, 0], [], []>, transpose_lhs_hint = false} : vector<64x128xf32>, vector<1x64xf32>, vector<128x1xf32> -> vector<128x1xf32>
    %add3A_77 = arith.addf %add3A_65, %dot_general3A_76 : vector<128x1xf32>
    %slice3A_78 = vector.extract_strided_slice %mul3A_19 {offsets = [40, 0], sizes = [8, 64], strides = [1, 1]} : vector<160x64xf32> to vector<8x64xf32>
    %reduce_sum3A_79 = arith.constant dense<0.000000e+00> : vector<64xf32>
    %reduce_sum3A_80 = vector.multi_reduction <add>, %slice3A_78, %reduce_sum3A_79 [0] : vector<8x64xf32> to vector<64xf32>
    %broadcast_in_dim3A_81 = vector.shape_cast %reduce_sum3A_80 : vector<64xf32> to vector<1x64xf32>
    %get3A_82 = arith.constant 5 : index
    %get3A_83 = arith.constant 0 : index
    %get3A_84 = arith.constant 0 : index
    %get3A_85 = vector.load %arg2[%get3A_82, %get3A_83, %get3A_84] : memref<20x64x128xf32, #tpu.memory_space<vmem>>, vector<1x64x128xf32>
    %get3A_86 = vector.shape_cast %get3A_85 : vector<1x64x128xf32> to vector<64x128xf32>
    %dot_general3A_87 = arith.constant dense<0.000000e+00> : vector<128x1xf32>
    %dot_general3A_88 = tpu.matmul %get3A_86, %broadcast_in_dim3A_81, %dot_general3A_87 {dimension_numbers = #tpu.dot_dimension_numbers<[0], [1], [1], [0], [0, 1, 1, 0], [], []>, transpose_lhs_hint = false} : vector<64x128xf32>, vector<1x64xf32>, vector<128x1xf32> -> vector<128x1xf32>
    %add3A_89 = arith.addf %add3A_77, %dot_general3A_88 : vector<128x1xf32>
    %slice3A_90 = vector.extract_strided_slice %mul3A_19 {offsets = [48, 0], sizes = [8, 64], strides = [1, 1]} : vector<160x64xf32> to vector<8x64xf32>
    %reduce_sum3A_91 = arith.constant dense<0.000000e+00> : vector<64xf32>
    %reduce_sum3A_92 = vector.multi_reduction <add>, %slice3A_90, %reduce_sum3A_91 [0] : vector<8x64xf32> to vector<64xf32>
    %broadcast_in_dim3A_93 = vector.shape_cast %reduce_sum3A_92 : vector<64xf32> to vector<1x64xf32>
    %get3A_94 = arith.constant 6 : index
    %get3A_95 = arith.constant 0 : index
    %get3A_96 = arith.constant 0 : index
    %get3A_97 = vector.load %arg2[%get3A_94, %get3A_95, %get3A_96] : memref<20x64x128xf32, #tpu.memory_space<vmem>>, vector<1x64x128xf32>
    %get3A_98 = vector.shape_cast %get3A_97 : vector<1x64x128xf32> to vector<64x128xf32>
    %dot_general3A_99 = arith.constant dense<0.000000e+00> : vector<128x1xf32>
    %dot_general3A_100 = tpu.matmul %get3A_98, %broadcast_in_dim3A_93, %dot_general3A_99 {dimension_numbers = #tpu.dot_dimension_numbers<[0], [1], [1], [0], [0, 1, 1, 0], [], []>, transpose_lhs_hint = false} : vector<64x128xf32>, vector<1x64xf32>, vector<128x1xf32> -> vector<128x1xf32>
    %add3A_101 = arith.addf %add3A_89, %dot_general3A_100 : vector<128x1xf32>
    %slice3A_102 = vector.extract_strided_slice %mul3A_19 {offsets = [56, 0], sizes = [8, 64], strides = [1, 1]} : vector<160x64xf32> to vector<8x64xf32>
    %reduce_sum3A_103 = arith.constant dense<0.000000e+00> : vector<64xf32>
    %reduce_sum3A_104 = vector.multi_reduction <add>, %slice3A_102, %reduce_sum3A_103 [0] : vector<8x64xf32> to vector<64xf32>
    %broadcast_in_dim3A_105 = vector.shape_cast %reduce_sum3A_104 : vector<64xf32> to vector<1x64xf32>
    %get3A_106 = arith.constant 7 : index
    %get3A_107 = arith.constant 0 : index
    %get3A_108 = arith.constant 0 : index
    %get3A_109 = vector.load %arg2[%get3A_106, %get3A_107, %get3A_108] : memref<20x64x128xf32, #tpu.memory_space<vmem>>, vector<1x64x128xf32>
    %get3A_110 = vector.shape_cast %get3A_109 : vector<1x64x128xf32> to vector<64x128xf32>
    %dot_general3A_111 = arith.constant dense<0.000000e+00> : vector<128x1xf32>
    %dot_general3A_112 = tpu.matmul %get3A_110, %broadcast_in_dim3A_105, %dot_general3A_111 {dimension_numbers = #tpu.dot_dimension_numbers<[0], [1], [1], [0], [0, 1, 1, 0], [], []>, transpose_lhs_hint = false} : vector<64x128xf32>, vector<1x64xf32>, vector<128x1xf32> -> vector<128x1xf32>
    %add3A_113 = arith.addf %add3A_101, %dot_general3A_112 : vector<128x1xf32>
    %slice3A_114 = vector.extract_strided_slice %mul3A_19 {offsets = [64, 0], sizes = [8, 64], strides = [1, 1]} : vector<160x64xf32> to vector<8x64xf32>
    %reduce_sum3A_115 = arith.constant dense<0.000000e+00> : vector<64xf32>
    %reduce_sum3A_116 = vector.multi_reduction <add>, %slice3A_114, %reduce_sum3A_115 [0] : vector<8x64xf32> to vector<64xf32>
    %broadcast_in_dim3A_117 = vector.shape_cast %reduce_sum3A_116 : vector<64xf32> to vector<1x64xf32>
    %get3A_118 = arith.constant 8 : index
    %get3A_119 = arith.constant 0 : index
    %get3A_120 = arith.constant 0 : index
    %get3A_121 = vector.load %arg2[%get3A_118, %get3A_119, %get3A_120] : memref<20x64x128xf32, #tpu.memory_space<vmem>>, vector<1x64x128xf32>
    %get3A_122 = vector.shape_cast %get3A_121 : vector<1x64x128xf32> to vector<64x128xf32>
    %dot_general3A_123 = arith.constant dense<0.000000e+00> : vector<128x1xf32>
    %dot_general3A_124 = tpu.matmul %get3A_122, %broadcast_in_dim3A_117, %dot_general3A_123 {dimension_numbers = #tpu.dot_dimension_numbers<[0], [1], [1], [0], [0, 1, 1, 0], [], []>, transpose_lhs_hint = false} : vector<64x128xf32>, vector<1x64xf32>, vector<128x1xf32> -> vector<128x1xf32>
    %add3A_125 = arith.addf %add3A_113, %dot_general3A_124 : vector<128x1xf32>
    %slice3A_126 = vector.extract_strided_slice %mul3A_19 {offsets = [72, 0], sizes = [8, 64], strides = [1, 1]} : vector<160x64xf32> to vector<8x64xf32>
    %reduce_sum3A_127 = arith.constant dense<0.000000e+00> : vector<64xf32>
    %reduce_sum3A_128 = vector.multi_reduction <add>, %slice3A_126, %reduce_sum3A_127 [0] : vector<8x64xf32> to vector<64xf32>
    %broadcast_in_dim3A_129 = vector.shape_cast %reduce_sum3A_128 : vector<64xf32> to vector<1x64xf32>
    %get3A_130 = arith.constant 9 : index
    %get3A_131 = arith.constant 0 : index
    %get3A_132 = arith.constant 0 : index
    %get3A_133 = vector.load %arg2[%get3A_130, %get3A_131, %get3A_132] : memref<20x64x128xf32, #tpu.memory_space<vmem>>, vector<1x64x128xf32>
    %get3A_134 = vector.shape_cast %get3A_133 : vector<1x64x128xf32> to vector<64x128xf32>
    %dot_general3A_135 = arith.constant dense<0.000000e+00> : vector<128x1xf32>
    %dot_general3A_136 = tpu.matmul %get3A_134, %broadcast_in_dim3A_129, %dot_general3A_135 {dimension_numbers = #tpu.dot_dimension_numbers<[0], [1], [1], [0], [0, 1, 1, 0], [], []>, transpose_lhs_hint = false} : vector<64x128xf32>, vector<1x64xf32>, vector<128x1xf32> -> vector<128x1xf32>
    %add3A_137 = arith.addf %add3A_125, %dot_general3A_136 : vector<128x1xf32>
    %slice3A_138 = vector.extract_strided_slice %mul3A_19 {offsets = [80, 0], sizes = [8, 64], strides = [1, 1]} : vector<160x64xf32> to vector<8x64xf32>
    %reduce_sum3A_139 = arith.constant dense<0.000000e+00> : vector<64xf32>
    %reduce_sum3A_140 = vector.multi_reduction <add>, %slice3A_138, %reduce_sum3A_139 [0] : vector<8x64xf32> to vector<64xf32>
    %broadcast_in_dim3A_141 = vector.shape_cast %reduce_sum3A_140 : vector<64xf32> to vector<1x64xf32>
    %get3A_142 = arith.constant 10 : index
    %get3A_143 = arith.constant 0 : index
    %get3A_144 = arith.constant 0 : index
    %get3A_145 = vector.load %arg2[%get3A_142, %get3A_143, %get3A_144] : memref<20x64x128xf32, #tpu.memory_space<vmem>>, vector<1x64x128xf32>
    %get3A_146 = vector.shape_cast %get3A_145 : vector<1x64x128xf32> to vector<64x128xf32>
    %dot_general3A_147 = arith.constant dense<0.000000e+00> : vector<128x1xf32>
    %dot_general3A_148 = tpu.matmul %get3A_146, %broadcast_in_dim3A_141, %dot_general3A_147 {dimension_numbers = #tpu.dot_dimension_numbers<[0], [1], [1], [0], [0, 1, 1, 0], [], []>, transpose_lhs_hint = false} : vector<64x128xf32>, vector<1x64xf32>, vector<128x1xf32> -> vector<128x1xf32>
    %add3A_149 = arith.addf %add3A_137, %dot_general3A_148 : vector<128x1xf32>
    %slice3A_150 = vector.extract_strided_slice %mul3A_19 {offsets = [88, 0], sizes = [8, 64], strides = [1, 1]} : vector<160x64xf32> to vector<8x64xf32>
    %reduce_sum3A_151 = arith.constant dense<0.000000e+00> : vector<64xf32>
    %reduce_sum3A_152 = vector.multi_reduction <add>, %slice3A_150, %reduce_sum3A_151 [0] : vector<8x64xf32> to vector<64xf32>
    %broadcast_in_dim3A_153 = vector.shape_cast %reduce_sum3A_152 : vector<64xf32> to vector<1x64xf32>
    %get3A_154 = arith.constant 11 : index
    %get3A_155 = arith.constant 0 : index
    %get3A_156 = arith.constant 0 : index
    %get3A_157 = vector.load %arg2[%get3A_154, %get3A_155, %get3A_156] : memref<20x64x128xf32, #tpu.memory_space<vmem>>, vector<1x64x128xf32>
    %get3A_158 = vector.shape_cast %get3A_157 : vector<1x64x128xf32> to vector<64x128xf32>
    %dot_general3A_159 = arith.constant dense<0.000000e+00> : vector<128x1xf32>
    %dot_general3A_160 = tpu.matmul %get3A_158, %broadcast_in_dim3A_153, %dot_general3A_159 {dimension_numbers = #tpu.dot_dimension_numbers<[0], [1], [1], [0], [0, 1, 1, 0], [], []>, transpose_lhs_hint = false} : vector<64x128xf32>, vector<1x64xf32>, vector<128x1xf32> -> vector<128x1xf32>
    %add3A_161 = arith.addf %add3A_149, %dot_general3A_160 : vector<128x1xf32>
    %slice3A_162 = vector.extract_strided_slice %mul3A_19 {offsets = [96, 0], sizes = [8, 64], strides = [1, 1]} : vector<160x64xf32> to vector<8x64xf32>
    %reduce_sum3A_163 = arith.constant dense<0.000000e+00> : vector<64xf32>
    %reduce_sum3A_164 = vector.multi_reduction <add>, %slice3A_162, %reduce_sum3A_163 [0] : vector<8x64xf32> to vector<64xf32>
    %broadcast_in_dim3A_165 = vector.shape_cast %reduce_sum3A_164 : vector<64xf32> to vector<1x64xf32>
    %get3A_166 = arith.constant 12 : index
    %get3A_167 = arith.constant 0 : index
    %get3A_168 = arith.constant 0 : index
    %get3A_169 = vector.load %arg2[%get3A_166, %get3A_167, %get3A_168] : memref<20x64x128xf32, #tpu.memory_space<vmem>>, vector<1x64x128xf32>
    %get3A_170 = vector.shape_cast %get3A_169 : vector<1x64x128xf32> to vector<64x128xf32>
    %dot_general3A_171 = arith.constant dense<0.000000e+00> : vector<128x1xf32>
    %dot_general3A_172 = tpu.matmul %get3A_170, %broadcast_in_dim3A_165, %dot_general3A_171 {dimension_numbers = #tpu.dot_dimension_numbers<[0], [1], [1], [0], [0, 1, 1, 0], [], []>, transpose_lhs_hint = false} : vector<64x128xf32>, vector<1x64xf32>, vector<128x1xf32> -> vector<128x1xf32>
    %add3A_173 = arith.addf %add3A_161, %dot_general3A_172 : vector<128x1xf32>
    %slice3A_174 = vector.extract_strided_slice %mul3A_19 {offsets = [104, 0], sizes = [8, 64], strides = [1, 1]} : vector<160x64xf32> to vector<8x64xf32>
    %reduce_sum3A_175 = arith.constant dense<0.000000e+00> : vector<64xf32>
    %reduce_sum3A_176 = vector.multi_reduction <add>, %slice3A_174, %reduce_sum3A_175 [0] : vector<8x64xf32> to vector<64xf32>
    %broadcast_in_dim3A_177 = vector.shape_cast %reduce_sum3A_176 : vector<64xf32> to vector<1x64xf32>
    %get3A_178 = arith.constant 13 : index
    %get3A_179 = arith.constant 0 : index
    %get3A_180 = arith.constant 0 : index
    %get3A_181 = vector.load %arg2[%get3A_178, %get3A_179, %get3A_180] : memref<20x64x128xf32, #tpu.memory_space<vmem>>, vector<1x64x128xf32>
    %get3A_182 = vector.shape_cast %get3A_181 : vector<1x64x128xf32> to vector<64x128xf32>
    %dot_general3A_183 = arith.constant dense<0.000000e+00> : vector<128x1xf32>
    %dot_general3A_184 = tpu.matmul %get3A_182, %broadcast_in_dim3A_177, %dot_general3A_183 {dimension_numbers = #tpu.dot_dimension_numbers<[0], [1], [1], [0], [0, 1, 1, 0], [], []>, transpose_lhs_hint = false} : vector<64x128xf32>, vector<1x64xf32>, vector<128x1xf32> -> vector<128x1xf32>
    %add3A_185 = arith.addf %add3A_173, %dot_general3A_184 : vector<128x1xf32>
    %slice3A_186 = vector.extract_strided_slice %mul3A_19 {offsets = [112, 0], sizes = [8, 64], strides = [1, 1]} : vector<160x64xf32> to vector<8x64xf32>
    %reduce_sum3A_187 = arith.constant dense<0.000000e+00> : vector<64xf32>
    %reduce_sum3A_188 = vector.multi_reduction <add>, %slice3A_186, %reduce_sum3A_187 [0] : vector<8x64xf32> to vector<64xf32>
    %broadcast_in_dim3A_189 = vector.shape_cast %reduce_sum3A_188 : vector<64xf32> to vector<1x64xf32>
    %get3A_190 = arith.constant 14 : index
    %get3A_191 = arith.constant 0 : index
    %get3A_192 = arith.constant 0 : index
    %get3A_193 = vector.load %arg2[%get3A_190, %get3A_191, %get3A_192] : memref<20x64x128xf32, #tpu.memory_space<vmem>>, vector<1x64x128xf32>
    %get3A_194 = vector.shape_cast %get3A_193 : vector<1x64x128xf32> to vector<64x128xf32>
    %dot_general3A_195 = arith.constant dense<0.000000e+00> : vector<128x1xf32>
    %dot_general3A_196 = tpu.matmul %get3A_194, %broadcast_in_dim3A_189, %dot_general3A_195 {dimension_numbers = #tpu.dot_dimension_numbers<[0], [1], [1], [0], [0, 1, 1, 0], [], []>, transpose_lhs_hint = false} : vector<64x128xf32>, vector<1x64xf32>, vector<128x1xf32> -> vector<128x1xf32>
    %add3A_197 = arith.addf %add3A_185, %dot_general3A_196 : vector<128x1xf32>
    %slice3A_198 = vector.extract_strided_slice %mul3A_19 {offsets = [120, 0], sizes = [8, 64], strides = [1, 1]} : vector<160x64xf32> to vector<8x64xf32>
    %reduce_sum3A_199 = arith.constant dense<0.000000e+00> : vector<64xf32>
    %reduce_sum3A_200 = vector.multi_reduction <add>, %slice3A_198, %reduce_sum3A_199 [0] : vector<8x64xf32> to vector<64xf32>
    %broadcast_in_dim3A_201 = vector.shape_cast %reduce_sum3A_200 : vector<64xf32> to vector<1x64xf32>
    %get3A_202 = arith.constant 15 : index
    %get3A_203 = arith.constant 0 : index
    %get3A_204 = arith.constant 0 : index
    %get3A_205 = vector.load %arg2[%get3A_202, %get3A_203, %get3A_204] : memref<20x64x128xf32, #tpu.memory_space<vmem>>, vector<1x64x128xf32>
    %get3A_206 = vector.shape_cast %get3A_205 : vector<1x64x128xf32> to vector<64x128xf32>
    %dot_general3A_207 = arith.constant dense<0.000000e+00> : vector<128x1xf32>
    %dot_general3A_208 = tpu.matmul %get3A_206, %broadcast_in_dim3A_201, %dot_general3A_207 {dimension_numbers = #tpu.dot_dimension_numbers<[0], [1], [1], [0], [0, 1, 1, 0], [], []>, transpose_lhs_hint = false} : vector<64x128xf32>, vector<1x64xf32>, vector<128x1xf32> -> vector<128x1xf32>
    %add3A_209 = arith.addf %add3A_197, %dot_general3A_208 : vector<128x1xf32>
    %slice3A_210 = vector.extract_strided_slice %mul3A_19 {offsets = [128, 0], sizes = [8, 64], strides = [1, 1]} : vector<160x64xf32> to vector<8x64xf32>
    %reduce_sum3A_211 = arith.constant dense<0.000000e+00> : vector<64xf32>
    %reduce_sum3A_212 = vector.multi_reduction <add>, %slice3A_210, %reduce_sum3A_211 [0] : vector<8x64xf32> to vector<64xf32>
    %broadcast_in_dim3A_213 = vector.shape_cast %reduce_sum3A_212 : vector<64xf32> to vector<1x64xf32>
    %get3A_214 = arith.constant 16 : index
    %get3A_215 = arith.constant 0 : index
    %get3A_216 = arith.constant 0 : index
    %get3A_217 = vector.load %arg2[%get3A_214, %get3A_215, %get3A_216] : memref<20x64x128xf32, #tpu.memory_space<vmem>>, vector<1x64x128xf32>
    %get3A_218 = vector.shape_cast %get3A_217 : vector<1x64x128xf32> to vector<64x128xf32>
    %dot_general3A_219 = arith.constant dense<0.000000e+00> : vector<128x1xf32>
    %dot_general3A_220 = tpu.matmul %get3A_218, %broadcast_in_dim3A_213, %dot_general3A_219 {dimension_numbers = #tpu.dot_dimension_numbers<[0], [1], [1], [0], [0, 1, 1, 0], [], []>, transpose_lhs_hint = false} : vector<64x128xf32>, vector<1x64xf32>, vector<128x1xf32> -> vector<128x1xf32>
    %add3A_221 = arith.addf %add3A_209, %dot_general3A_220 : vector<128x1xf32>
    %slice3A_222 = vector.extract_strided_slice %mul3A_19 {offsets = [136, 0], sizes = [8, 64], strides = [1, 1]} : vector<160x64xf32> to vector<8x64xf32>
    %reduce_sum3A_223 = arith.constant dense<0.000000e+00> : vector<64xf32>
    %reduce_sum3A_224 = vector.multi_reduction <add>, %slice3A_222, %reduce_sum3A_223 [0] : vector<8x64xf32> to vector<64xf32>
    %broadcast_in_dim3A_225 = vector.shape_cast %reduce_sum3A_224 : vector<64xf32> to vector<1x64xf32>
    %get3A_226 = arith.constant 17 : index
    %get3A_227 = arith.constant 0 : index
    %get3A_228 = arith.constant 0 : index
    %get3A_229 = vector.load %arg2[%get3A_226, %get3A_227, %get3A_228] : memref<20x64x128xf32, #tpu.memory_space<vmem>>, vector<1x64x128xf32>
    %get3A_230 = vector.shape_cast %get3A_229 : vector<1x64x128xf32> to vector<64x128xf32>
    %dot_general3A_231 = arith.constant dense<0.000000e+00> : vector<128x1xf32>
    %dot_general3A_232 = tpu.matmul %get3A_230, %broadcast_in_dim3A_225, %dot_general3A_231 {dimension_numbers = #tpu.dot_dimension_numbers<[0], [1], [1], [0], [0, 1, 1, 0], [], []>, transpose_lhs_hint = false} : vector<64x128xf32>, vector<1x64xf32>, vector<128x1xf32> -> vector<128x1xf32>
    %add3A_233 = arith.addf %add3A_221, %dot_general3A_232 : vector<128x1xf32>
    %slice3A_234 = vector.extract_strided_slice %mul3A_19 {offsets = [144, 0], sizes = [8, 64], strides = [1, 1]} : vector<160x64xf32> to vector<8x64xf32>
    %reduce_sum3A_235 = arith.constant dense<0.000000e+00> : vector<64xf32>
    %reduce_sum3A_236 = vector.multi_reduction <add>, %slice3A_234, %reduce_sum3A_235 [0] : vector<8x64xf32> to vector<64xf32>
    %broadcast_in_dim3A_237 = vector.shape_cast %reduce_sum3A_236 : vector<64xf32> to vector<1x64xf32>
    %get3A_238 = arith.constant 18 : index
    %get3A_239 = arith.constant 0 : index
    %get3A_240 = arith.constant 0 : index
    %get3A_241 = vector.load %arg2[%get3A_238, %get3A_239, %get3A_240] : memref<20x64x128xf32, #tpu.memory_space<vmem>>, vector<1x64x128xf32>
    %get3A_242 = vector.shape_cast %get3A_241 : vector<1x64x128xf32> to vector<64x128xf32>
    %dot_general3A_243 = arith.constant dense<0.000000e+00> : vector<128x1xf32>
    %dot_general3A_244 = tpu.matmul %get3A_242, %broadcast_in_dim3A_237, %dot_general3A_243 {dimension_numbers = #tpu.dot_dimension_numbers<[0], [1], [1], [0], [0, 1, 1, 0], [], []>, transpose_lhs_hint = false} : vector<64x128xf32>, vector<1x64xf32>, vector<128x1xf32> -> vector<128x1xf32>
    %add3A_245 = arith.addf %add3A_233, %dot_general3A_244 : vector<128x1xf32>
    %slice3A_246 = vector.extract_strided_slice %mul3A_19 {offsets = [152, 0], sizes = [8, 64], strides = [1, 1]} : vector<160x64xf32> to vector<8x64xf32>
    %reduce_sum3A_247 = arith.constant dense<0.000000e+00> : vector<64xf32>
    %reduce_sum3A_248 = vector.multi_reduction <add>, %slice3A_246, %reduce_sum3A_247 [0] : vector<8x64xf32> to vector<64xf32>
    %broadcast_in_dim3A_249 = vector.shape_cast %reduce_sum3A_248 : vector<64xf32> to vector<1x64xf32>
    %get3A_250 = arith.constant 19 : index
    %get3A_251 = arith.constant 0 : index
    %get3A_252 = arith.constant 0 : index
    %get3A_253 = vector.load %arg2[%get3A_250, %get3A_251, %get3A_252] : memref<20x64x128xf32, #tpu.memory_space<vmem>>, vector<1x64x128xf32>
    %get3A_254 = vector.shape_cast %get3A_253 : vector<1x64x128xf32> to vector<64x128xf32>
    %dot_general3A_255 = arith.constant dense<0.000000e+00> : vector<128x1xf32>
    %dot_general3A_256 = tpu.matmul %get3A_254, %broadcast_in_dim3A_249, %dot_general3A_255 {dimension_numbers = #tpu.dot_dimension_numbers<[0], [1], [1], [0], [0, 1, 1, 0], [], []>, transpose_lhs_hint = false} : vector<64x128xf32>, vector<1x64xf32>, vector<128x1xf32> -> vector<128x1xf32>
    %add3A_257 = arith.addf %add3A_245, %dot_general3A_256 : vector<128x1xf32>
    %max3A = arith.constant 0.000000e+00 : f32
    %max3A_258 = vector.broadcast %max3A : f32 to vector<128x1xf32>
    %max3A_259 = arith.maximumf %add3A_257, %max3A_258 : vector<128x1xf32>
    %swap3A = arith.constant 0 : index
    %swap3A_260 = arith.constant 0 : index
    %swap3A_261 = vector.load %arg7[%swap3A, %swap3A_260] : memref<128x1xf32, #tpu.memory_space<vmem>>, vector<128x1xf32>
    tpu.vector_store %arg7[%swap3A, %swap3A_260], %max3A_259 {strides = array<i32>} : memref<128x1xf32, #tpu.memory_space<vmem>>, vector<128x1xf32>,
    %broadcast_in_dim3A_262 = arith.constant 0xFF800000 : f32
    %broadcast_in_dim3A_263 = vector.broadcast %broadcast_in_dim3A_262 : f32 to vector<1x128xf32>
    %swap3A_264 = arith.constant 0 : index
    %swap3A_265 = arith.constant 0 : index
    %swap3A_266 = vector.load %arg8[%swap3A_264, %swap3A_265] : memref<1x128xf32, #tpu.memory_space<vmem>>, vector<1x128xf32>
    tpu.vector_store %arg8[%swap3A_264, %swap3A_265], %broadcast_in_dim3A_263 {strides = array<i32>} : memref<1x128xf32, #tpu.memory_space<vmem>>, vector<1x128xf32>,
    %broadcast_in_dim3A_267 = arith.constant 0.000000e+00 : f32
    %broadcast_in_dim3A_268 = vector.broadcast %broadcast_in_dim3A_267 : f32 to vector<1x128xf32>
    %swap3A_269 = arith.constant 0 : index
    %swap3A_270 = arith.constant 0 : index
    %swap3A_271 = vector.load %arg9[%swap3A_269, %swap3A_270] : memref<1x128xf32, #tpu.memory_space<vmem>>, vector<1x128xf32>
    tpu.vector_store %arg9[%swap3A_269, %swap3A_270], %broadcast_in_dim3A_268 {strides = array<i32>} : memref<1x128xf32, #tpu.memory_space<vmem>>, vector<1x128xf32>,
    %scan3A = arith.constant 0 : i32
    %scan3A_272 = arith.constant 48 : i32
    %scan3A_273 = arith.addi %scan3A, %scan3A_272 : i32
    %scan3A_274 = arith.constant 1 : i32
    scf.for %scan3A_420 = %scan3A to %scan3A_273 step %scan3A_274  : i32 {
      %jit3A = arith.constant 4 : i32
      %eq3A = arith.constant 0 : i32
      %eq3A_421 = arith.cmpi eq, %jit3A, %eq3A : i32
      %jit3A_422 = arith.constant 1 : i32
      %select_n3A = arith.select %eq3A_421, %jit3A_422, %jit3A : i32
      %rem3A = arith.remsi %scan3A_420, %select_n3A : i32
      %ne3A = arith.constant 0 : i32
      %ne3A_423 = arith.cmpi ne, %rem3A, %ne3A : i32
      %lt3A = arith.constant 0 : i32
      %lt3A_424 = arith.cmpi slt, %rem3A, %lt3A : i32
      %lt3A_425 = arith.constant 0 : i32
      %lt3A_426 = arith.cmpi slt, %select_n3A, %lt3A_425 : i32
      %ne3A_427 = arith.xori %lt3A_424, %lt3A_426 : i1
      %and3A = arith.andi %ne3A_427, %ne3A_423 : i1
      %add3A_428 = arith.addi %rem3A, %select_n3A : i32
      %select_n3A_429 = arith.select %and3A, %add3A_428, %rem3A : i32
      %eq3A_430 = arith.constant 0 : i32
      %eq3A_431 = arith.cmpi eq, %select_n3A_429, %eq3A_430 : i32
      %convert_element_type3A = arith.extui %eq3A_431 : i1 to i32
      %cond3A = arith.constant 0 : i32
      %cond3A_432 = arith.cmpi ne, %convert_element_type3A, %cond3A : i32
      scf.if %cond3A_432 {
        %mul3A_496 = arith.constant 2048 : i32
        %mul3A_497 = arith.muli %scan3A_420, %mul3A_496 : i32
        %dma_wait3A_498 = arith.constant 0 : i32
        %dma_wait3A_499 = tpu.memref_slice %arg5[%dma_wait3A_498, %mul3A_497] : memref<128x100000xf32, #tpu.memory_space<any>> -> memref<128x2048xf32, #tpu.memory_space<any>>
        tpu.wait_dma2 semaphore(%arg15 : memref<!tpu.dma_semaphore, #tpu.memory_space<semaphore_mem>>) src(%dma_wait3A_499 : memref<128x2048xf32, #tpu.memory_space<any>>) dst(%arg10 : memref<128x2048xf32, #tpu.memory_space<vmem>>)
        %get3A_500 = arith.constant 0 : index
        %get3A_501 = arith.constant 0 : index
        %get3A_502 = vector.load %arg10[%get3A_500, %get3A_501] : memref<128x2048xf32, #tpu.memory_space<vmem>>, vector<128x2048xf32>
        %get3A_503 = arith.constant 0 : index
        %get3A_504 = arith.constant 0 : index
        %get3A_505 = vector.load %arg7[%get3A_503, %get3A_504] : memref<128x1xf32, #tpu.memory_space<vmem>>, vector<128x1xf32>
        %slice3A_506 = vector.extract_strided_slice %get3A_502 {offsets = [0, 0], sizes = [128, 128], strides = [1, 1]} : vector<128x2048xf32> to vector<128x128xf32>
        %mul3A_507 = vector.broadcast %get3A_505 : vector<128x1xf32> to vector<128x128xf32>
        %mul3A_508 = arith.mulf %slice3A_506, %mul3A_507 : vector<128x128xf32>
        %reduce_sum3A_509 = arith.constant dense<0.000000e+00> : vector<128xf32>
        %reduce_sum3A_510 = vector.multi_reduction <add>, %mul3A_508, %reduce_sum3A_509 [0] : vector<128x128xf32> to vector<128xf32>
        %broadcast_in_dim3A_511 = vector.shape_cast %reduce_sum3A_510 : vector<128xf32> to vector<1x128xf32>
        %slice3A_512 = vector.extract_strided_slice %get3A_502 {offsets = [0, 128], sizes = [128, 128], strides = [1, 1]} : vector<128x2048xf32> to vector<128x128xf32>
        %mul3A_513 = vector.broadcast %get3A_505 : vector<128x1xf32> to vector<128x128xf32>
        %mul3A_514 = arith.mulf %slice3A_512, %mul3A_513 : vector<128x128xf32>
        %reduce_sum3A_515 = arith.constant dense<0.000000e+00> : vector<128xf32>
        %reduce_sum3A_516 = vector.multi_reduction <add>, %mul3A_514, %reduce_sum3A_515 [0] : vector<128x128xf32> to vector<128xf32>
        %broadcast_in_dim3A_517 = vector.shape_cast %reduce_sum3A_516 : vector<128xf32> to vector<1x128xf32>
        %slice3A_518 = vector.extract_strided_slice %get3A_502 {offsets = [0, 256], sizes = [128, 128], strides = [1, 1]} : vector<128x2048xf32> to vector<128x128xf32>
        %mul3A_519 = vector.broadcast %get3A_505 : vector<128x1xf32> to vector<128x128xf32>
        %mul3A_520 = arith.mulf %slice3A_518, %mul3A_519 : vector<128x128xf32>
        %reduce_sum3A_521 = arith.constant dense<0.000000e+00> : vector<128xf32>
        %reduce_sum3A_522 = vector.multi_reduction <add>, %mul3A_520, %reduce_sum3A_521 [0] : vector<128x128xf32> to vector<128xf32>
        %broadcast_in_dim3A_523 = vector.shape_cast %reduce_sum3A_522 : vector<128xf32> to vector<1x128xf32>
        %slice3A_524 = vector.extract_strided_slice %get3A_502 {offsets = [0, 384], sizes = [128, 128], strides = [1, 1]} : vector<128x2048xf32> to vector<128x128xf32>
        %mul3A_525 = vector.broadcast %get3A_505 : vector<128x1xf32> to vector<128x128xf32>
        %mul3A_526 = arith.mulf %slice3A_524, %mul3A_525 : vector<128x128xf32>
        %reduce_sum3A_527 = arith.constant dense<0.000000e+00> : vector<128xf32>
        %reduce_sum3A_528 = vector.multi_reduction <add>, %mul3A_526, %reduce_sum3A_527 [0] : vector<128x128xf32> to vector<128xf32>
        %broadcast_in_dim3A_529 = vector.shape_cast %reduce_sum3A_528 : vector<128xf32> to vector<1x128xf32>
        %slice3A_530 = vector.extract_strided_slice %get3A_502 {offsets = [0, 512], sizes = [128, 128], strides = [1, 1]} : vector<128x2048xf32> to vector<128x128xf32>
        %mul3A_531 = vector.broadcast %get3A_505 : vector<128x1xf32> to vector<128x128xf32>
        %mul3A_532 = arith.mulf %slice3A_530, %mul3A_531 : vector<128x128xf32>
        %reduce_sum3A_533 = arith.constant dense<0.000000e+00> : vector<128xf32>
        %reduce_sum3A_534 = vector.multi_reduction <add>, %mul3A_532, %reduce_sum3A_533 [0] : vector<128x128xf32> to vector<128xf32>
        %broadcast_in_dim3A_535 = vector.shape_cast %reduce_sum3A_534 : vector<128xf32> to vector<1x128xf32>
        %slice3A_536 = vector.extract_strided_slice %get3A_502 {offsets = [0, 640], sizes = [128, 128], strides = [1, 1]} : vector<128x2048xf32> to vector<128x128xf32>
        %mul3A_537 = vector.broadcast %get3A_505 : vector<128x1xf32> to vector<128x128xf32>
        %mul3A_538 = arith.mulf %slice3A_536, %mul3A_537 : vector<128x128xf32>
        %reduce_sum3A_539 = arith.constant dense<0.000000e+00> : vector<128xf32>
        %reduce_sum3A_540 = vector.multi_reduction <add>, %mul3A_538, %reduce_sum3A_539 [0] : vector<128x128xf32> to vector<128xf32>
        %broadcast_in_dim3A_541 = vector.shape_cast %reduce_sum3A_540 : vector<128xf32> to vector<1x128xf32>
        %slice3A_542 = vector.extract_strided_slice %get3A_502 {offsets = [0, 768], sizes = [128, 128], strides = [1, 1]} : vector<128x2048xf32> to vector<128x128xf32>
        %mul3A_543 = vector.broadcast %get3A_505 : vector<128x1xf32> to vector<128x128xf32>
        %mul3A_544 = arith.mulf %slice3A_542, %mul3A_543 : vector<128x128xf32>
        %reduce_sum3A_545 = arith.constant dense<0.000000e+00> : vector<128xf32>
        %reduce_sum3A_546 = vector.multi_reduction <add>, %mul3A_544, %reduce_sum3A_545 [0] : vector<128x128xf32> to vector<128xf32>
        %broadcast_in_dim3A_547 = vector.shape_cast %reduce_sum3A_546 : vector<128xf32> to vector<1x128xf32>
        %slice3A_548 = vector.extract_strided_slice %get3A_502 {offsets = [0, 896], sizes = [128, 128], strides = [1, 1]} : vector<128x2048xf32> to vector<128x128xf32>
        %mul3A_549 = vector.broadcast %get3A_505 : vector<128x1xf32> to vector<128x128xf32>
        %mul3A_550 = arith.mulf %slice3A_548, %mul3A_549 : vector<128x128xf32>
        %reduce_sum3A_551 = arith.constant dense<0.000000e+00> : vector<128xf32>
        %reduce_sum3A_552 = vector.multi_reduction <add>, %mul3A_550, %reduce_sum3A_551 [0] : vector<128x128xf32> to vector<128xf32>
        %broadcast_in_dim3A_553 = vector.shape_cast %reduce_sum3A_552 : vector<128xf32> to vector<1x128xf32>
        %slice3A_554 = vector.extract_strided_slice %get3A_502 {offsets = [0, 1024], sizes = [128, 128], strides = [1, 1]} : vector<128x2048xf32> to vector<128x128xf32>
        %mul3A_555 = vector.broadcast %get3A_505 : vector<128x1xf32> to vector<128x128xf32>
        %mul3A_556 = arith.mulf %slice3A_554, %mul3A_555 : vector<128x128xf32>
        %reduce_sum3A_557 = arith.constant dense<0.000000e+00> : vector<128xf32>
        %reduce_sum3A_558 = vector.multi_reduction <add>, %mul3A_556, %reduce_sum3A_557 [0] : vector<128x128xf32> to vector<128xf32>
        %broadcast_in_dim3A_559 = vector.shape_cast %reduce_sum3A_558 : vector<128xf32> to vector<1x128xf32>
        %slice3A_560 = vector.extract_strided_slice %get3A_502 {offsets = [0, 1152], sizes = [128, 128], strides = [1, 1]} : vector<128x2048xf32> to vector<128x128xf32>
        %mul3A_561 = vector.broadcast %get3A_505 : vector<128x1xf32> to vector<128x128xf32>
        %mul3A_562 = arith.mulf %slice3A_560, %mul3A_561 : vector<128x128xf32>
        %reduce_sum3A_563 = arith.constant dense<0.000000e+00> : vector<128xf32>
        %reduce_sum3A_564 = vector.multi_reduction <add>, %mul3A_562, %reduce_sum3A_563 [0] : vector<128x128xf32> to vector<128xf32>
        %broadcast_in_dim3A_565 = vector.shape_cast %reduce_sum3A_564 : vector<128xf32> to vector<1x128xf32>
        %slice3A_566 = vector.extract_strided_slice %get3A_502 {offsets = [0, 1280], sizes = [128, 128], strides = [1, 1]} : vector<128x2048xf32> to vector<128x128xf32>
        %mul3A_567 = vector.broadcast %get3A_505 : vector<128x1xf32> to vector<128x128xf32>
        %mul3A_568 = arith.mulf %slice3A_566, %mul3A_567 : vector<128x128xf32>
        %reduce_sum3A_569 = arith.constant dense<0.000000e+00> : vector<128xf32>
        %reduce_sum3A_570 = vector.multi_reduction <add>, %mul3A_568, %reduce_sum3A_569 [0] : vector<128x128xf32> to vector<128xf32>
        %broadcast_in_dim3A_571 = vector.shape_cast %reduce_sum3A_570 : vector<128xf32> to vector<1x128xf32>
        %slice3A_572 = vector.extract_strided_slice %get3A_502 {offsets = [0, 1408], sizes = [128, 128], strides = [1, 1]} : vector<128x2048xf32> to vector<128x128xf32>
        %mul3A_573 = vector.broadcast %get3A_505 : vector<128x1xf32> to vector<128x128xf32>
        %mul3A_574 = arith.mulf %slice3A_572, %mul3A_573 : vector<128x128xf32>
        %reduce_sum3A_575 = arith.constant dense<0.000000e+00> : vector<128xf32>
        %reduce_sum3A_576 = vector.multi_reduction <add>, %mul3A_574, %reduce_sum3A_575 [0] : vector<128x128xf32> to vector<128xf32>
        %broadcast_in_dim3A_577 = vector.shape_cast %reduce_sum3A_576 : vector<128xf32> to vector<1x128xf32>
        %slice3A_578 = vector.extract_strided_slice %get3A_502 {offsets = [0, 1536], sizes = [128, 128], strides = [1, 1]} : vector<128x2048xf32> to vector<128x128xf32>
        %mul3A_579 = vector.broadcast %get3A_505 : vector<128x1xf32> to vector<128x128xf32>
        %mul3A_580 = arith.mulf %slice3A_578, %mul3A_579 : vector<128x128xf32>
        %reduce_sum3A_581 = arith.constant dense<0.000000e+00> : vector<128xf32>
        %reduce_sum3A_582 = vector.multi_reduction <add>, %mul3A_580, %reduce_sum3A_581 [0] : vector<128x128xf32> to vector<128xf32>
        %broadcast_in_dim3A_583 = vector.shape_cast %reduce_sum3A_582 : vector<128xf32> to vector<1x128xf32>
        %slice3A_584 = vector.extract_strided_slice %get3A_502 {offsets = [0, 1664], sizes = [128, 128], strides = [1, 1]} : vector<128x2048xf32> to vector<128x128xf32>
        %mul3A_585 = vector.broadcast %get3A_505 : vector<128x1xf32> to vector<128x128xf32>
        %mul3A_586 = arith.mulf %slice3A_584, %mul3A_585 : vector<128x128xf32>
        %reduce_sum3A_587 = arith.constant dense<0.000000e+00> : vector<128xf32>
        %reduce_sum3A_588 = vector.multi_reduction <add>, %mul3A_586, %reduce_sum3A_587 [0] : vector<128x128xf32> to vector<128xf32>
        %broadcast_in_dim3A_589 = vector.shape_cast %reduce_sum3A_588 : vector<128xf32> to vector<1x128xf32>
        %slice3A_590 = vector.extract_strided_slice %get3A_502 {offsets = [0, 1792], sizes = [128, 128], strides = [1, 1]} : vector<128x2048xf32> to vector<128x128xf32>
        %mul3A_591 = vector.broadcast %get3A_505 : vector<128x1xf32> to vector<128x128xf32>
        %mul3A_592 = arith.mulf %slice3A_590, %mul3A_591 : vector<128x128xf32>
        %reduce_sum3A_593 = arith.constant dense<0.000000e+00> : vector<128xf32>
        %reduce_sum3A_594 = vector.multi_reduction <add>, %mul3A_592, %reduce_sum3A_593 [0] : vector<128x128xf32> to vector<128xf32>
        %broadcast_in_dim3A_595 = vector.shape_cast %reduce_sum3A_594 : vector<128xf32> to vector<1x128xf32>
        %slice3A_596 = vector.extract_strided_slice %get3A_502 {offsets = [0, 1920], sizes = [128, 128], strides = [1, 1]} : vector<128x2048xf32> to vector<128x128xf32>
        %mul3A_597 = vector.broadcast %get3A_505 : vector<128x1xf32> to vector<128x128xf32>
        %mul3A_598 = arith.mulf %slice3A_596, %mul3A_597 : vector<128x128xf32>
        %reduce_sum3A_599 = arith.constant dense<0.000000e+00> : vector<128xf32>
        %reduce_sum3A_600 = vector.multi_reduction <add>, %mul3A_598, %reduce_sum3A_599 [0] : vector<128x128xf32> to vector<128xf32>
        %broadcast_in_dim3A_601 = vector.shape_cast %reduce_sum3A_600 : vector<128xf32> to vector<1x128xf32>
        %concatenate3A_602 = tpu.concatenate %broadcast_in_dim3A_511, %broadcast_in_dim3A_517, %broadcast_in_dim3A_523, %broadcast_in_dim3A_529, %broadcast_in_dim3A_535, %broadcast_in_dim3A_541, %broadcast_in_dim3A_547, %broadcast_in_dim3A_553, %broadcast_in_dim3A_559, %broadcast_in_dim3A_565, %broadcast_in_dim3A_571, %broadcast_in_dim3A_577, %broadcast_in_dim3A_583, %broadcast_in_dim3A_589, %broadcast_in_dim3A_595, %broadcast_in_dim3A_601 in 1 : vector<1x128xf32>, vector<1x128xf32>, vector<1x128xf32>, vector<1x128xf32>, vector<1x128xf32>, vector<1x128xf32>, vector<1x128xf32>, vector<1x128xf32>, vector<1x128xf32>, vector<1x128xf32>, vector<1x128xf32>, vector<1x128xf32>, vector<1x128xf32>, vector<1x128xf32>, vector<1x128xf32>, vector<1x128xf32> -> vector<1x2048xf32>
        %mul3A_603 = arith.constant 2048 : i32
        %mul3A_604 = arith.muli %scan3A_420, %mul3A_603 : i32
        %get3A_605 = arith.constant 0 : index
        %get3A_606 = arith.index_cast %mul3A_604 : i32 to index
        %get3A_607 = vector.load %arg4[%get3A_605, %get3A_606] : memref<1x100000xf32, #tpu.memory_space<vmem>>, vector<1x2048xf32>
        %add3A_608 = arith.addf %concatenate3A_602, %get3A_607 : vector<1x2048xf32>
        %mul3A_609 = arith.constant 2048 : i32
        %mul3A_610 = arith.muli %scan3A_420, %mul3A_609 : i32
        %reduce_max3A_611 = vector.shape_cast %add3A_608 : vector<1x2048xf32> to vector<1x1x2048xf32>
        %reduce_max3A_612 = arith.constant dense<0xFF800000> : vector<1xf32>
        %reduce_max3A_613 = vector.multi_reduction <maximumf>, %reduce_max3A_611, %reduce_max3A_612 [1, 2] : vector<1x1x2048xf32> to vector<1xf32>
        %reduce_max3A_614 = vector.shape_cast %reduce_max3A_613 : vector<1xf32> to vector<1x1x1xf32>
        %reduce_max3A_615 = vector.extract %reduce_max3A_614[0, 0, 0] : f32 from vector<1x1x1xf32>
        %get3A_616 = arith.constant 0 : index
        %get3A_617 = arith.constant 0 : index
        %get3A_618 = vector.load %arg8[%get3A_616, %get3A_617] : memref<1x128xf32, #tpu.memory_space<vmem>>, vector<1x128xf32>
        %max3A_619 = vector.broadcast %reduce_max3A_615 : f32 to vector<1x128xf32>
        %max3A_620 = arith.maximumf %get3A_618, %max3A_619 : vector<1x128xf32>
        %slice3A_621 = vector.extract_strided_slice %max3A_620 {offsets = [0, 0], sizes = [1, 1], strides = [1, 1]} : vector<1x128xf32> to vector<1x1xf32>
        %squeeze3A_622 = vector.extract %slice3A_621[0, 0] : f32 from vector<1x1xf32>
        %sub3A_623 = vector.broadcast %squeeze3A_622 : f32 to vector<1x2048xf32>
        %sub3A_624 = arith.subf %add3A_608, %sub3A_623 : vector<1x2048xf32>
        %exp3A_625 = math.exp %sub3A_624 : vector<1x2048xf32>
        %reduce_sum3A_626 = vector.shape_cast %exp3A_625 : vector<1x2048xf32> to vector<1x1x2048xf32>
        %reduce_sum3A_627 = arith.constant dense<0.000000e+00> : vector<1xf32>
        %reduce_sum3A_628 = vector.multi_reduction <add>, %reduce_sum3A_626, %reduce_sum3A_627 [1, 2] : vector<1x1x2048xf32> to vector<1xf32>
        %reduce_sum3A_629 = vector.shape_cast %reduce_sum3A_628 : vector<1xf32> to vector<1x1x1xf32>
        %reduce_sum3A_630 = vector.extract %reduce_sum3A_629[0, 0, 0] : f32 from vector<1x1x1xf32>
        %get3A_631 = arith.constant 0 : index
        %get3A_632 = arith.constant 0 : index
        %get3A_633 = vector.load %arg9[%get3A_631, %get3A_632] : memref<1x128xf32, #tpu.memory_space<vmem>>, vector<1x128xf32>
        %sub3A_634 = arith.subf %get3A_618, %max3A_620 : vector<1x128xf32>
        %exp3A_635 = math.exp %sub3A_634 : vector<1x128xf32>
        %mul3A_636 = arith.mulf %get3A_633, %exp3A_635 : vector<1x128xf32>
        %add3A_637 = vector.broadcast %reduce_sum3A_630 : f32 to vector<1x128xf32>
        %add3A_638 = arith.addf %mul3A_636, %add3A_637 : vector<1x128xf32>
        %swap3A_639 = arith.constant 0 : index
        %swap3A_640 = arith.constant 0 : index
        %swap3A_641 = vector.load %arg9[%swap3A_639, %swap3A_640] : memref<1x128xf32, #tpu.memory_space<vmem>>, vector<1x128xf32>
        tpu.vector_store %arg9[%swap3A_639, %swap3A_640], %add3A_638 {strides = array<i32>} : memref<1x128xf32, #tpu.memory_space<vmem>>, vector<1x128xf32>,
        %swap3A_642 = arith.constant 0 : index
        %swap3A_643 = arith.constant 0 : index
        %swap3A_644 = vector.load %arg8[%swap3A_642, %swap3A_643] : memref<1x128xf32, #tpu.memory_space<vmem>>, vector<1x128xf32>
        tpu.vector_store %arg8[%swap3A_642, %swap3A_643], %max3A_620 {strides = array<i32>} : memref<1x128xf32, #tpu.memory_space<vmem>>, vector<1x128xf32>,
        %swap3A_645 = arith.constant 0 : index
        %swap3A_646 = arith.index_cast %mul3A_610 : i32 to index
        %swap3A_647 = vector.load %arg6[%swap3A_645, %swap3A_646] : memref<1x100000xf32, #tpu.memory_space<vmem>>, vector<1x2048xf32>
        tpu.vector_store %arg6[%swap3A_645, %swap3A_646], %add3A_608 {strides = array<i32>} : memref<1x100000xf32, #tpu.memory_space<vmem>>, vector<1x2048xf32>,
        %add3A_648 = arith.constant 4 : i32
        %add3A_649 = arith.addi %scan3A_420, %add3A_648 : i32
        %lt3A_650 = arith.constant 48 : i32
        %lt3A_651 = arith.cmpi slt, %add3A_649, %lt3A_650 : i32
        %convert_element_type3A_652 = arith.extui %lt3A_651 : i1 to i32
        %cond3A_653 = arith.constant 0 : i32
        %cond3A_654 = arith.cmpi ne, %convert_element_type3A_652, %cond3A_653 : i32
        scf.if %cond3A_654 {
          %add3A_655 = arith.constant 4 : i32
          %add3A_656 = arith.addi %scan3A_420, %add3A_655 : i32
          %mul3A_657 = arith.constant 2048 : i32
          %mul3A_658 = arith.muli %add3A_656, %mul3A_657 : i32
          %dma_start3A_659 = arith.constant 0 : i32
          %dma_start3A_660 = tpu.memref_slice %arg5[%dma_start3A_659, %mul3A_658] : memref<128x100000xf32, #tpu.memory_space<any>> -> memref<128x2048xf32, #tpu.memory_space<any>>
          tpu.enqueue_dma source(%dma_start3A_660 : memref<128x2048xf32, #tpu.memory_space<any>>) target(%arg10 : memref<128x2048xf32, #tpu.memory_space<vmem>>) target_semaphore(%arg15 : memref<!tpu.dma_semaphore, #tpu.memory_space<semaphore_mem>>)
        } else {
        }
      } else {
      }
      %jit3A_433 = arith.constant 4 : i32
      %eq3A_434 = arith.constant 0 : i32
      %eq3A_435 = arith.cmpi eq, %jit3A_433, %eq3A_434 : i32
      %jit3A_436 = arith.constant 1 : i32
      %select_n3A_437 = arith.select %eq3A_435, %jit3A_436, %jit3A_433 : i32
      %rem3A_438 = arith.remsi %scan3A_420, %select_n3A_437 : i32
      %ne3A_439 = arith.constant 0 : i32
      %ne3A_440 = arith.cmpi ne, %rem3A_438, %ne3A_439 : i32
      %lt3A_441 = arith.constant 0 : i32
      %lt3A_442 = arith.cmpi slt, %rem3A_438, %lt3A_441 : i32
      %lt3A_443 = arith.constant 0 : i32
      %lt3A_444 = arith.cmpi slt, %select_n3A_437, %lt3A_443 : i32
      %ne3A_445 = arith.xori %lt3A_442, %lt3A_444 : i1
      %and3A_446 = arith.andi %ne3A_445, %ne3A_440 : i1
      %add3A_447 = arith.addi %rem3A_438, %select_n3A_437 : i32
      %select_n3A_448 = arith.select %and3A_446, %add3A_447, %rem3A_438 : i32
      %eq3A_449 = arith.constant 1 : i32
      %eq3A_450 = arith.cmpi eq, %select_n3A_448, %eq3A_449 : i32
      %convert_element_type3A_451 = arith.extui %eq3A_450 : i1 to i32
      %cond3A_452 = arith.constant 0 : i32
      %cond3A_453 = arith.cmpi ne, %convert_element_type3A_451, %cond3A_452 : i32
      scf.if %cond3A_453 {
        %mul3A_496 = arith.constant 2048 : i32
        %mul3A_497 = arith.muli %scan3A_420, %mul3A_496 : i32
        %dma_wait3A_498 = arith.constant 0 : i32
        %dma_wait3A_499 = tpu.memref_slice %arg5[%dma_wait3A_498, %mul3A_497] : memref<128x100000xf32, #tpu.memory_space<any>> -> memref<128x2048xf32, #tpu.memory_space<any>>
        tpu.wait_dma2 semaphore(%arg16 : memref<!tpu.dma_semaphore, #tpu.memory_space<semaphore_mem>>) src(%dma_wait3A_499 : memref<128x2048xf32, #tpu.memory_space<any>>) dst(%arg11 : memref<128x2048xf32, #tpu.memory_space<vmem>>)
        %get3A_500 = arith.constant 0 : index
        %get3A_501 = arith.constant 0 : index
        %get3A_502 = vector.load %arg11[%get3A_500, %get3A_501] : memref<128x2048xf32, #tpu.memory_space<vmem>>, vector<128x2048xf32>
        %get3A_503 = arith.constant 0 : index
        %get3A_504 = arith.constant 0 : index
        %get3A_505 = vector.load %arg7[%get3A_503, %get3A_504] : memref<128x1xf32, #tpu.memory_space<vmem>>, vector<128x1xf32>
        %slice3A_506 = vector.extract_strided_slice %get3A_502 {offsets = [0, 0], sizes = [128, 128], strides = [1, 1]} : vector<128x2048xf32> to vector<128x128xf32>
        %mul3A_507 = vector.broadcast %get3A_505 : vector<128x1xf32> to vector<128x128xf32>
        %mul3A_508 = arith.mulf %slice3A_506, %mul3A_507 : vector<128x128xf32>
        %reduce_sum3A_509 = arith.constant dense<0.000000e+00> : vector<128xf32>
        %reduce_sum3A_510 = vector.multi_reduction <add>, %mul3A_508, %reduce_sum3A_509 [0] : vector<128x128xf32> to vector<128xf32>
        %broadcast_in_dim3A_511 = vector.shape_cast %reduce_sum3A_510 : vector<128xf32> to vector<1x128xf32>
        %slice3A_512 = vector.extract_strided_slice %get3A_502 {offsets = [0, 128], sizes = [128, 128], strides = [1, 1]} : vector<128x2048xf32> to vector<128x128xf32>
        %mul3A_513 = vector.broadcast %get3A_505 : vector<128x1xf32> to vector<128x128xf32>
        %mul3A_514 = arith.mulf %slice3A_512, %mul3A_513 : vector<128x128xf32>
        %reduce_sum3A_515 = arith.constant dense<0.000000e+00> : vector<128xf32>
        %reduce_sum3A_516 = vector.multi_reduction <add>, %mul3A_514, %reduce_sum3A_515 [0] : vector<128x128xf32> to vector<128xf32>
        %broadcast_in_dim3A_517 = vector.shape_cast %reduce_sum3A_516 : vector<128xf32> to vector<1x128xf32>
        %slice3A_518 = vector.extract_strided_slice %get3A_502 {offsets = [0, 256], sizes = [128, 128], strides = [1, 1]} : vector<128x2048xf32> to vector<128x128xf32>
        %mul3A_519 = vector.broadcast %get3A_505 : vector<128x1xf32> to vector<128x128xf32>
        %mul3A_520 = arith.mulf %slice3A_518, %mul3A_519 : vector<128x128xf32>
        %reduce_sum3A_521 = arith.constant dense<0.000000e+00> : vector<128xf32>
        %reduce_sum3A_522 = vector.multi_reduction <add>, %mul3A_520, %reduce_sum3A_521 [0] : vector<128x128xf32> to vector<128xf32>
        %broadcast_in_dim3A_523 = vector.shape_cast %reduce_sum3A_522 : vector<128xf32> to vector<1x128xf32>
        %slice3A_524 = vector.extract_strided_slice %get3A_502 {offsets = [0, 384], sizes = [128, 128], strides = [1, 1]} : vector<128x2048xf32> to vector<128x128xf32>
        %mul3A_525 = vector.broadcast %get3A_505 : vector<128x1xf32> to vector<128x128xf32>
        %mul3A_526 = arith.mulf %slice3A_524, %mul3A_525 : vector<128x128xf32>
        %reduce_sum3A_527 = arith.constant dense<0.000000e+00> : vector<128xf32>
        %reduce_sum3A_528 = vector.multi_reduction <add>, %mul3A_526, %reduce_sum3A_527 [0] : vector<128x128xf32> to vector<128xf32>
        %broadcast_in_dim3A_529 = vector.shape_cast %reduce_sum3A_528 : vector<128xf32> to vector<1x128xf32>
        %slice3A_530 = vector.extract_strided_slice %get3A_502 {offsets = [0, 512], sizes = [128, 128], strides = [1, 1]} : vector<128x2048xf32> to vector<128x128xf32>
        %mul3A_531 = vector.broadcast %get3A_505 : vector<128x1xf32> to vector<128x128xf32>
        %mul3A_532 = arith.mulf %slice3A_530, %mul3A_531 : vector<128x128xf32>
        %reduce_sum3A_533 = arith.constant dense<0.000000e+00> : vector<128xf32>
        %reduce_sum3A_534 = vector.multi_reduction <add>, %mul3A_532, %reduce_sum3A_533 [0] : vector<128x128xf32> to vector<128xf32>
        %broadcast_in_dim3A_535 = vector.shape_cast %reduce_sum3A_534 : vector<128xf32> to vector<1x128xf32>
        %slice3A_536 = vector.extract_strided_slice %get3A_502 {offsets = [0, 640], sizes = [128, 128], strides = [1, 1]} : vector<128x2048xf32> to vector<128x128xf32>
        %mul3A_537 = vector.broadcast %get3A_505 : vector<128x1xf32> to vector<128x128xf32>
        %mul3A_538 = arith.mulf %slice3A_536, %mul3A_537 : vector<128x128xf32>
        %reduce_sum3A_539 = arith.constant dense<0.000000e+00> : vector<128xf32>
        %reduce_sum3A_540 = vector.multi_reduction <add>, %mul3A_538, %reduce_sum3A_539 [0] : vector<128x128xf32> to vector<128xf32>
        %broadcast_in_dim3A_541 = vector.shape_cast %reduce_sum3A_540 : vector<128xf32> to vector<1x128xf32>
        %slice3A_542 = vector.extract_strided_slice %get3A_502 {offsets = [0, 768], sizes = [128, 128], strides = [1, 1]} : vector<128x2048xf32> to vector<128x128xf32>
        %mul3A_543 = vector.broadcast %get3A_505 : vector<128x1xf32> to vector<128x128xf32>
        %mul3A_544 = arith.mulf %slice3A_542, %mul3A_543 : vector<128x128xf32>
        %reduce_sum3A_545 = arith.constant dense<0.000000e+00> : vector<128xf32>
        %reduce_sum3A_546 = vector.multi_reduction <add>, %mul3A_544, %reduce_sum3A_545 [0] : vector<128x128xf32> to vector<128xf32>
        %broadcast_in_dim3A_547 = vector.shape_cast %reduce_sum3A_546 : vector<128xf32> to vector<1x128xf32>
        %slice3A_548 = vector.extract_strided_slice %get3A_502 {offsets = [0, 896], sizes = [128, 128], strides = [1, 1]} : vector<128x2048xf32> to vector<128x128xf32>
        %mul3A_549 = vector.broadcast %get3A_505 : vector<128x1xf32> to vector<128x128xf32>
        %mul3A_550 = arith.mulf %slice3A_548, %mul3A_549 : vector<128x128xf32>
        %reduce_sum3A_551 = arith.constant dense<0.000000e+00> : vector<128xf32>
        %reduce_sum3A_552 = vector.multi_reduction <add>, %mul3A_550, %reduce_sum3A_551 [0] : vector<128x128xf32> to vector<128xf32>
        %broadcast_in_dim3A_553 = vector.shape_cast %reduce_sum3A_552 : vector<128xf32> to vector<1x128xf32>
        %slice3A_554 = vector.extract_strided_slice %get3A_502 {offsets = [0, 1024], sizes = [128, 128], strides = [1, 1]} : vector<128x2048xf32> to vector<128x128xf32>
        %mul3A_555 = vector.broadcast %get3A_505 : vector<128x1xf32> to vector<128x128xf32>
        %mul3A_556 = arith.mulf %slice3A_554, %mul3A_555 : vector<128x128xf32>
        %reduce_sum3A_557 = arith.constant dense<0.000000e+00> : vector<128xf32>
        %reduce_sum3A_558 = vector.multi_reduction <add>, %mul3A_556, %reduce_sum3A_557 [0] : vector<128x128xf32> to vector<128xf32>
        %broadcast_in_dim3A_559 = vector.shape_cast %reduce_sum3A_558 : vector<128xf32> to vector<1x128xf32>
        %slice3A_560 = vector.extract_strided_slice %get3A_502 {offsets = [0, 1152], sizes = [128, 128], strides = [1, 1]} : vector<128x2048xf32> to vector<128x128xf32>
        %mul3A_561 = vector.broadcast %get3A_505 : vector<128x1xf32> to vector<128x128xf32>
        %mul3A_562 = arith.mulf %slice3A_560, %mul3A_561 : vector<128x128xf32>
        %reduce_sum3A_563 = arith.constant dense<0.000000e+00> : vector<128xf32>
        %reduce_sum3A_564 = vector.multi_reduction <add>, %mul3A_562, %reduce_sum3A_563 [0] : vector<128x128xf32> to vector<128xf32>
        %broadcast_in_dim3A_565 = vector.shape_cast %reduce_sum3A_564 : vector<128xf32> to vector<1x128xf32>
        %slice3A_566 = vector.extract_strided_slice %get3A_502 {offsets = [0, 1280], sizes = [128, 128], strides = [1, 1]} : vector<128x2048xf32> to vector<128x128xf32>
        %mul3A_567 = vector.broadcast %get3A_505 : vector<128x1xf32> to vector<128x128xf32>
        %mul3A_568 = arith.mulf %slice3A_566, %mul3A_567 : vector<128x128xf32>
        %reduce_sum3A_569 = arith.constant dense<0.000000e+00> : vector<128xf32>
        %reduce_sum3A_570 = vector.multi_reduction <add>, %mul3A_568, %reduce_sum3A_569 [0] : vector<128x128xf32> to vector<128xf32>
        %broadcast_in_dim3A_571 = vector.shape_cast %reduce_sum3A_570 : vector<128xf32> to vector<1x128xf32>
        %slice3A_572 = vector.extract_strided_slice %get3A_502 {offsets = [0, 1408], sizes = [128, 128], strides = [1, 1]} : vector<128x2048xf32> to vector<128x128xf32>
        %mul3A_573 = vector.broadcast %get3A_505 : vector<128x1xf32> to vector<128x128xf32>
        %mul3A_574 = arith.mulf %slice3A_572, %mul3A_573 : vector<128x128xf32>
        %reduce_sum3A_575 = arith.constant dense<0.000000e+00> : vector<128xf32>
        %reduce_sum3A_576 = vector.multi_reduction <add>, %mul3A_574, %reduce_sum3A_575 [0] : vector<128x128xf32> to vector<128xf32>
        %broadcast_in_dim3A_577 = vector.shape_cast %reduce_sum3A_576 : vector<128xf32> to vector<1x128xf32>
        %slice3A_578 = vector.extract_strided_slice %get3A_502 {offsets = [0, 1536], sizes = [128, 128], strides = [1, 1]} : vector<128x2048xf32> to vector<128x128xf32>
        %mul3A_579 = vector.broadcast %get3A_505 : vector<128x1xf32> to vector<128x128xf32>
        %mul3A_580 = arith.mulf %slice3A_578, %mul3A_579 : vector<128x128xf32>
        %reduce_sum3A_581 = arith.constant dense<0.000000e+00> : vector<128xf32>
        %reduce_sum3A_582 = vector.multi_reduction <add>, %mul3A_580, %reduce_sum3A_581 [0] : vector<128x128xf32> to vector<128xf32>
        %broadcast_in_dim3A_583 = vector.shape_cast %reduce_sum3A_582 : vector<128xf32> to vector<1x128xf32>
        %slice3A_584 = vector.extract_strided_slice %get3A_502 {offsets = [0, 1664], sizes = [128, 128], strides = [1, 1]} : vector<128x2048xf32> to vector<128x128xf32>
        %mul3A_585 = vector.broadcast %get3A_505 : vector<128x1xf32> to vector<128x128xf32>
        %mul3A_586 = arith.mulf %slice3A_584, %mul3A_585 : vector<128x128xf32>
        %reduce_sum3A_587 = arith.constant dense<0.000000e+00> : vector<128xf32>
        %reduce_sum3A_588 = vector.multi_reduction <add>, %mul3A_586, %reduce_sum3A_587 [0] : vector<128x128xf32> to vector<128xf32>
        %broadcast_in_dim3A_589 = vector.shape_cast %reduce_sum3A_588 : vector<128xf32> to vector<1x128xf32>
        %slice3A_590 = vector.extract_strided_slice %get3A_502 {offsets = [0, 1792], sizes = [128, 128], strides = [1, 1]} : vector<128x2048xf32> to vector<128x128xf32>
        %mul3A_591 = vector.broadcast %get3A_505 : vector<128x1xf32> to vector<128x128xf32>
        %mul3A_592 = arith.mulf %slice3A_590, %mul3A_591 : vector<128x128xf32>
        %reduce_sum3A_593 = arith.constant dense<0.000000e+00> : vector<128xf32>
        %reduce_sum3A_594 = vector.multi_reduction <add>, %mul3A_592, %reduce_sum3A_593 [0] : vector<128x128xf32> to vector<128xf32>
        %broadcast_in_dim3A_595 = vector.shape_cast %reduce_sum3A_594 : vector<128xf32> to vector<1x128xf32>
        %slice3A_596 = vector.extract_strided_slice %get3A_502 {offsets = [0, 1920], sizes = [128, 128], strides = [1, 1]} : vector<128x2048xf32> to vector<128x128xf32>
        %mul3A_597 = vector.broadcast %get3A_505 : vector<128x1xf32> to vector<128x128xf32>
        %mul3A_598 = arith.mulf %slice3A_596, %mul3A_597 : vector<128x128xf32>
        %reduce_sum3A_599 = arith.constant dense<0.000000e+00> : vector<128xf32>
        %reduce_sum3A_600 = vector.multi_reduction <add>, %mul3A_598, %reduce_sum3A_599 [0] : vector<128x128xf32> to vector<128xf32>
        %broadcast_in_dim3A_601 = vector.shape_cast %reduce_sum3A_600 : vector<128xf32> to vector<1x128xf32>
        %concatenate3A_602 = tpu.concatenate %broadcast_in_dim3A_511, %broadcast_in_dim3A_517, %broadcast_in_dim3A_523, %broadcast_in_dim3A_529, %broadcast_in_dim3A_535, %broadcast_in_dim3A_541, %broadcast_in_dim3A_547, %broadcast_in_dim3A_553, %broadcast_in_dim3A_559, %broadcast_in_dim3A_565, %broadcast_in_dim3A_571, %broadcast_in_dim3A_577, %broadcast_in_dim3A_583, %broadcast_in_dim3A_589, %broadcast_in_dim3A_595, %broadcast_in_dim3A_601 in 1 : vector<1x128xf32>, vector<1x128xf32>, vector<1x128xf32>, vector<1x128xf32>, vector<1x128xf32>, vector<1x128xf32>, vector<1x128xf32>, vector<1x128xf32>, vector<1x128xf32>, vector<1x128xf32>, vector<1x128xf32>, vector<1x128xf32>, vector<1x128xf32>, vector<1x128xf32>, vector<1x128xf32>, vector<1x128xf32> -> vector<1x2048xf32>
        %mul3A_603 = arith.constant 2048 : i32
        %mul3A_604 = arith.muli %scan3A_420, %mul3A_603 : i32
        %get3A_605 = arith.constant 0 : index
        %get3A_606 = arith.index_cast %mul3A_604 : i32 to index
        %get3A_607 = vector.load %arg4[%get3A_605, %get3A_606] : memref<1x100000xf32, #tpu.memory_space<vmem>>, vector<1x2048xf32>
        %add3A_608 = arith.addf %concatenate3A_602, %get3A_607 : vector<1x2048xf32>
        %mul3A_609 = arith.constant 2048 : i32
        %mul3A_610 = arith.muli %scan3A_420, %mul3A_609 : i32
        %reduce_max3A_611 = vector.shape_cast %add3A_608 : vector<1x2048xf32> to vector<1x1x2048xf32>
        %reduce_max3A_612 = arith.constant dense<0xFF800000> : vector<1xf32>
        %reduce_max3A_613 = vector.multi_reduction <maximumf>, %reduce_max3A_611, %reduce_max3A_612 [1, 2] : vector<1x1x2048xf32> to vector<1xf32>
        %reduce_max3A_614 = vector.shape_cast %reduce_max3A_613 : vector<1xf32> to vector<1x1x1xf32>
        %reduce_max3A_615 = vector.extract %reduce_max3A_614[0, 0, 0] : f32 from vector<1x1x1xf32>
        %get3A_616 = arith.constant 0 : index
        %get3A_617 = arith.constant 0 : index
        %get3A_618 = vector.load %arg8[%get3A_616, %get3A_617] : memref<1x128xf32, #tpu.memory_space<vmem>>, vector<1x128xf32>
        %max3A_619 = vector.broadcast %reduce_max3A_615 : f32 to vector<1x128xf32>
        %max3A_620 = arith.maximumf %get3A_618, %max3A_619 : vector<1x128xf32>
        %slice3A_621 = vector.extract_strided_slice %max3A_620 {offsets = [0, 0], sizes = [1, 1], strides = [1, 1]} : vector<1x128xf32> to vector<1x1xf32>
        %squeeze3A_622 = vector.extract %slice3A_621[0, 0] : f32 from vector<1x1xf32>
        %sub3A_623 = vector.broadcast %squeeze3A_622 : f32 to vector<1x2048xf32>
        %sub3A_624 = arith.subf %add3A_608, %sub3A_623 : vector<1x2048xf32>
        %exp3A_625 = math.exp %sub3A_624 : vector<1x2048xf32>
        %reduce_sum3A_626 = vector.shape_cast %exp3A_625 : vector<1x2048xf32> to vector<1x1x2048xf32>
        %reduce_sum3A_627 = arith.constant dense<0.000000e+00> : vector<1xf32>
        %reduce_sum3A_628 = vector.multi_reduction <add>, %reduce_sum3A_626, %reduce_sum3A_627 [1, 2] : vector<1x1x2048xf32> to vector<1xf32>
        %reduce_sum3A_629 = vector.shape_cast %reduce_sum3A_628 : vector<1xf32> to vector<1x1x1xf32>
        %reduce_sum3A_630 = vector.extract %reduce_sum3A_629[0, 0, 0] : f32 from vector<1x1x1xf32>
        %get3A_631 = arith.constant 0 : index
        %get3A_632 = arith.constant 0 : index
        %get3A_633 = vector.load %arg9[%get3A_631, %get3A_632] : memref<1x128xf32, #tpu.memory_space<vmem>>, vector<1x128xf32>
        %sub3A_634 = arith.subf %get3A_618, %max3A_620 : vector<1x128xf32>
        %exp3A_635 = math.exp %sub3A_634 : vector<1x128xf32>
        %mul3A_636 = arith.mulf %get3A_633, %exp3A_635 : vector<1x128xf32>
        %add3A_637 = vector.broadcast %reduce_sum3A_630 : f32 to vector<1x128xf32>
        %add3A_638 = arith.addf %mul3A_636, %add3A_637 : vector<1x128xf32>
        %swap3A_639 = arith.constant 0 : index
        %swap3A_640 = arith.constant 0 : index
        %swap3A_641 = vector.load %arg9[%swap3A_639, %swap3A_640] : memref<1x128xf32, #tpu.memory_space<vmem>>, vector<1x128xf32>
        tpu.vector_store %arg9[%swap3A_639, %swap3A_640], %add3A_638 {strides = array<i32>} : memref<1x128xf32, #tpu.memory_space<vmem>>, vector<1x128xf32>,
        %swap3A_642 = arith.constant 0 : index
        %swap3A_643 = arith.constant 0 : index
        %swap3A_644 = vector.load %arg8[%swap3A_642, %swap3A_643] : memref<1x128xf32, #tpu.memory_space<vmem>>, vector<1x128xf32>
        tpu.vector_store %arg8[%swap3A_642, %swap3A_643], %max3A_620 {strides = array<i32>} : memref<1x128xf32, #tpu.memory_space<vmem>>, vector<1x128xf32>,
        %swap3A_645 = arith.constant 0 : index
        %swap3A_646 = arith.index_cast %mul3A_610 : i32 to index
        %swap3A_647 = vector.load %arg6[%swap3A_645, %swap3A_646] : memref<1x100000xf32, #tpu.memory_space<vmem>>, vector<1x2048xf32>
        tpu.vector_store %arg6[%swap3A_645, %swap3A_646], %add3A_608 {strides = array<i32>} : memref<1x100000xf32, #tpu.memory_space<vmem>>, vector<1x2048xf32>,
        %add3A_648 = arith.constant 4 : i32
        %add3A_649 = arith.addi %scan3A_420, %add3A_648 : i32
        %lt3A_650 = arith.constant 48 : i32
        %lt3A_651 = arith.cmpi slt, %add3A_649, %lt3A_650 : i32
        %convert_element_type3A_652 = arith.extui %lt3A_651 : i1 to i32
        %cond3A_653 = arith.constant 0 : i32
        %cond3A_654 = arith.cmpi ne, %convert_element_type3A_652, %cond3A_653 : i32
        scf.if %cond3A_654 {
          %add3A_655 = arith.constant 4 : i32
          %add3A_656 = arith.addi %scan3A_420, %add3A_655 : i32
          %mul3A_657 = arith.constant 2048 : i32
          %mul3A_658 = arith.muli %add3A_656, %mul3A_657 : i32
          %dma_start3A_659 = arith.constant 0 : i32
          %dma_start3A_660 = tpu.memref_slice %arg5[%dma_start3A_659, %mul3A_658] : memref<128x100000xf32, #tpu.memory_space<any>> -> memref<128x2048xf32, #tpu.memory_space<any>>
          tpu.enqueue_dma source(%dma_start3A_660 : memref<128x2048xf32, #tpu.memory_space<any>>) target(%arg11 : memref<128x2048xf32, #tpu.memory_space<vmem>>) target_semaphore(%arg16 : memref<!tpu.dma_semaphore, #tpu.memory_space<semaphore_mem>>)
        } else {
        }
      } else {
      }
      %jit3A_454 = arith.constant 4 : i32
      %eq3A_455 = arith.constant 0 : i32
      %eq3A_456 = arith.cmpi eq, %jit3A_454, %eq3A_455 : i32
      %jit3A_457 = arith.constant 1 : i32
      %select_n3A_458 = arith.select %eq3A_456, %jit3A_457, %jit3A_454 : i32
      %rem3A_459 = arith.remsi %scan3A_420, %select_n3A_458 : i32
      %ne3A_460 = arith.constant 0 : i32
      %ne3A_461 = arith.cmpi ne, %rem3A_459, %ne3A_460 : i32
      %lt3A_462 = arith.constant 0 : i32
      %lt3A_463 = arith.cmpi slt, %rem3A_459, %lt3A_462 : i32
      %lt3A_464 = arith.constant 0 : i32
      %lt3A_465 = arith.cmpi slt, %select_n3A_458, %lt3A_464 : i32
      %ne3A_466 = arith.xori %lt3A_463, %lt3A_465 : i1
      %and3A_467 = arith.andi %ne3A_466, %ne3A_461 : i1
      %add3A_468 = arith.addi %rem3A_459, %select_n3A_458 : i32
      %select_n3A_469 = arith.select %and3A_467, %add3A_468, %rem3A_459 : i32
      %eq3A_470 = arith.constant 2 : i32
      %eq3A_471 = arith.cmpi eq, %select_n3A_469, %eq3A_470 : i32
      %convert_element_type3A_472 = arith.extui %eq3A_471 : i1 to i32
      %cond3A_473 = arith.constant 0 : i32
      %cond3A_474 = arith.cmpi ne, %convert_element_type3A_472, %cond3A_473 : i32
      scf.if %cond3A_474 {
        %mul3A_496 = arith.constant 2048 : i32
        %mul3A_497 = arith.muli %scan3A_420, %mul3A_496 : i32
        %dma_wait3A_498 = arith.constant 0 : i32
        %dma_wait3A_499 = tpu.memref_slice %arg5[%dma_wait3A_498, %mul3A_497] : memref<128x100000xf32, #tpu.memory_space<any>> -> memref<128x2048xf32, #tpu.memory_space<any>>
        tpu.wait_dma2 semaphore(%arg17 : memref<!tpu.dma_semaphore, #tpu.memory_space<semaphore_mem>>) src(%dma_wait3A_499 : memref<128x2048xf32, #tpu.memory_space<any>>) dst(%arg12 : memref<128x2048xf32, #tpu.memory_space<vmem>>)
        %get3A_500 = arith.constant 0 : index
        %get3A_501 = arith.constant 0 : index
        %get3A_502 = vector.load %arg12[%get3A_500, %get3A_501] : memref<128x2048xf32, #tpu.memory_space<vmem>>, vector<128x2048xf32>
        %get3A_503 = arith.constant 0 : index
        %get3A_504 = arith.constant 0 : index
        %get3A_505 = vector.load %arg7[%get3A_503, %get3A_504] : memref<128x1xf32, #tpu.memory_space<vmem>>, vector<128x1xf32>
        %slice3A_506 = vector.extract_strided_slice %get3A_502 {offsets = [0, 0], sizes = [128, 128], strides = [1, 1]} : vector<128x2048xf32> to vector<128x128xf32>
        %mul3A_507 = vector.broadcast %get3A_505 : vector<128x1xf32> to vector<128x128xf32>
        %mul3A_508 = arith.mulf %slice3A_506, %mul3A_507 : vector<128x128xf32>
        %reduce_sum3A_509 = arith.constant dense<0.000000e+00> : vector<128xf32>
        %reduce_sum3A_510 = vector.multi_reduction <add>, %mul3A_508, %reduce_sum3A_509 [0] : vector<128x128xf32> to vector<128xf32>
        %broadcast_in_dim3A_511 = vector.shape_cast %reduce_sum3A_510 : vector<128xf32> to vector<1x128xf32>
        %slice3A_512 = vector.extract_strided_slice %get3A_502 {offsets = [0, 128], sizes = [128, 128], strides = [1, 1]} : vector<128x2048xf32> to vector<128x128xf32>
        %mul3A_513 = vector.broadcast %get3A_505 : vector<128x1xf32> to vector<128x128xf32>
        %mul3A_514 = arith.mulf %slice3A_512, %mul3A_513 : vector<128x128xf32>
        %reduce_sum3A_515 = arith.constant dense<0.000000e+00> : vector<128xf32>
        %reduce_sum3A_516 = vector.multi_reduction <add>, %mul3A_514, %reduce_sum3A_515 [0] : vector<128x128xf32> to vector<128xf32>
        %broadcast_in_dim3A_517 = vector.shape_cast %reduce_sum3A_516 : vector<128xf32> to vector<1x128xf32>
        %slice3A_518 = vector.extract_strided_slice %get3A_502 {offsets = [0, 256], sizes = [128, 128], strides = [1, 1]} : vector<128x2048xf32> to vector<128x128xf32>
        %mul3A_519 = vector.broadcast %get3A_505 : vector<128x1xf32> to vector<128x128xf32>
        %mul3A_520 = arith.mulf %slice3A_518, %mul3A_519 : vector<128x128xf32>
        %reduce_sum3A_521 = arith.constant dense<0.000000e+00> : vector<128xf32>
        %reduce_sum3A_522 = vector.multi_reduction <add>, %mul3A_520, %reduce_sum3A_521 [0] : vector<128x128xf32> to vector<128xf32>
        %broadcast_in_dim3A_523 = vector.shape_cast %reduce_sum3A_522 : vector<128xf32> to vector<1x128xf32>
        %slice3A_524 = vector.extract_strided_slice %get3A_502 {offsets = [0, 384], sizes = [128, 128], strides = [1, 1]} : vector<128x2048xf32> to vector<128x128xf32>
        %mul3A_525 = vector.broadcast %get3A_505 : vector<128x1xf32> to vector<128x128xf32>
        %mul3A_526 = arith.mulf %slice3A_524, %mul3A_525 : vector<128x128xf32>
        %reduce_sum3A_527 = arith.constant dense<0.000000e+00> : vector<128xf32>
        %reduce_sum3A_528 = vector.multi_reduction <add>, %mul3A_526, %reduce_sum3A_527 [0] : vector<128x128xf32> to vector<128xf32>
        %broadcast_in_dim3A_529 = vector.shape_cast %reduce_sum3A_528 : vector<128xf32> to vector<1x128xf32>
        %slice3A_530 = vector.extract_strided_slice %get3A_502 {offsets = [0, 512], sizes = [128, 128], strides = [1, 1]} : vector<128x2048xf32> to vector<128x128xf32>
        %mul3A_531 = vector.broadcast %get3A_505 : vector<128x1xf32> to vector<128x128xf32>
        %mul3A_532 = arith.mulf %slice3A_530, %mul3A_531 : vector<128x128xf32>
        %reduce_sum3A_533 = arith.constant dense<0.000000e+00> : vector<128xf32>
        %reduce_sum3A_534 = vector.multi_reduction <add>, %mul3A_532, %reduce_sum3A_533 [0] : vector<128x128xf32> to vector<128xf32>
        %broadcast_in_dim3A_535 = vector.shape_cast %reduce_sum3A_534 : vector<128xf32> to vector<1x128xf32>
        %slice3A_536 = vector.extract_strided_slice %get3A_502 {offsets = [0, 640], sizes = [128, 128], strides = [1, 1]} : vector<128x2048xf32> to vector<128x128xf32>
        %mul3A_537 = vector.broadcast %get3A_505 : vector<128x1xf32> to vector<128x128xf32>
        %mul3A_538 = arith.mulf %slice3A_536, %mul3A_537 : vector<128x128xf32>
        %reduce_sum3A_539 = arith.constant dense<0.000000e+00> : vector<128xf32>
        %reduce_sum3A_540 = vector.multi_reduction <add>, %mul3A_538, %reduce_sum3A_539 [0] : vector<128x128xf32> to vector<128xf32>
        %broadcast_in_dim3A_541 = vector.shape_cast %reduce_sum3A_540 : vector<128xf32> to vector<1x128xf32>
        %slice3A_542 = vector.extract_strided_slice %get3A_502 {offsets = [0, 768], sizes = [128, 128], strides = [1, 1]} : vector<128x2048xf32> to vector<128x128xf32>
        %mul3A_543 = vector.broadcast %get3A_505 : vector<128x1xf32> to vector<128x128xf32>
        %mul3A_544 = arith.mulf %slice3A_542, %mul3A_543 : vector<128x128xf32>
        %reduce_sum3A_545 = arith.constant dense<0.000000e+00> : vector<128xf32>
        %reduce_sum3A_546 = vector.multi_reduction <add>, %mul3A_544, %reduce_sum3A_545 [0] : vector<128x128xf32> to vector<128xf32>
        %broadcast_in_dim3A_547 = vector.shape_cast %reduce_sum3A_546 : vector<128xf32> to vector<1x128xf32>
        %slice3A_548 = vector.extract_strided_slice %get3A_502 {offsets = [0, 896], sizes = [128, 128], strides = [1, 1]} : vector<128x2048xf32> to vector<128x128xf32>
        %mul3A_549 = vector.broadcast %get3A_505 : vector<128x1xf32> to vector<128x128xf32>
        %mul3A_550 = arith.mulf %slice3A_548, %mul3A_549 : vector<128x128xf32>
        %reduce_sum3A_551 = arith.constant dense<0.000000e+00> : vector<128xf32>
        %reduce_sum3A_552 = vector.multi_reduction <add>, %mul3A_550, %reduce_sum3A_551 [0] : vector<128x128xf32> to vector<128xf32>
        %broadcast_in_dim3A_553 = vector.shape_cast %reduce_sum3A_552 : vector<128xf32> to vector<1x128xf32>
        %slice3A_554 = vector.extract_strided_slice %get3A_502 {offsets = [0, 1024], sizes = [128, 128], strides = [1, 1]} : vector<128x2048xf32> to vector<128x128xf32>
        %mul3A_555 = vector.broadcast %get3A_505 : vector<128x1xf32> to vector<128x128xf32>
        %mul3A_556 = arith.mulf %slice3A_554, %mul3A_555 : vector<128x128xf32>
        %reduce_sum3A_557 = arith.constant dense<0.000000e+00> : vector<128xf32>
        %reduce_sum3A_558 = vector.multi_reduction <add>, %mul3A_556, %reduce_sum3A_557 [0] : vector<128x128xf32> to vector<128xf32>
        %broadcast_in_dim3A_559 = vector.shape_cast %reduce_sum3A_558 : vector<128xf32> to vector<1x128xf32>
        %slice3A_560 = vector.extract_strided_slice %get3A_502 {offsets = [0, 1152], sizes = [128, 128], strides = [1, 1]} : vector<128x2048xf32> to vector<128x128xf32>
        %mul3A_561 = vector.broadcast %get3A_505 : vector<128x1xf32> to vector<128x128xf32>
        %mul3A_562 = arith.mulf %slice3A_560, %mul3A_561 : vector<128x128xf32>
        %reduce_sum3A_563 = arith.constant dense<0.000000e+00> : vector<128xf32>
        %reduce_sum3A_564 = vector.multi_reduction <add>, %mul3A_562, %reduce_sum3A_563 [0] : vector<128x128xf32> to vector<128xf32>
        %broadcast_in_dim3A_565 = vector.shape_cast %reduce_sum3A_564 : vector<128xf32> to vector<1x128xf32>
        %slice3A_566 = vector.extract_strided_slice %get3A_502 {offsets = [0, 1280], sizes = [128, 128], strides = [1, 1]} : vector<128x2048xf32> to vector<128x128xf32>
        %mul3A_567 = vector.broadcast %get3A_505 : vector<128x1xf32> to vector<128x128xf32>
        %mul3A_568 = arith.mulf %slice3A_566, %mul3A_567 : vector<128x128xf32>
        %reduce_sum3A_569 = arith.constant dense<0.000000e+00> : vector<128xf32>
        %reduce_sum3A_570 = vector.multi_reduction <add>, %mul3A_568, %reduce_sum3A_569 [0] : vector<128x128xf32> to vector<128xf32>
        %broadcast_in_dim3A_571 = vector.shape_cast %reduce_sum3A_570 : vector<128xf32> to vector<1x128xf32>
        %slice3A_572 = vector.extract_strided_slice %get3A_502 {offsets = [0, 1408], sizes = [128, 128], strides = [1, 1]} : vector<128x2048xf32> to vector<128x128xf32>
        %mul3A_573 = vector.broadcast %get3A_505 : vector<128x1xf32> to vector<128x128xf32>
        %mul3A_574 = arith.mulf %slice3A_572, %mul3A_573 : vector<128x128xf32>
        %reduce_sum3A_575 = arith.constant dense<0.000000e+00> : vector<128xf32>
        %reduce_sum3A_576 = vector.multi_reduction <add>, %mul3A_574, %reduce_sum3A_575 [0] : vector<128x128xf32> to vector<128xf32>
        %broadcast_in_dim3A_577 = vector.shape_cast %reduce_sum3A_576 : vector<128xf32> to vector<1x128xf32>
        %slice3A_578 = vector.extract_strided_slice %get3A_502 {offsets = [0, 1536], sizes = [128, 128], strides = [1, 1]} : vector<128x2048xf32> to vector<128x128xf32>
        %mul3A_579 = vector.broadcast %get3A_505 : vector<128x1xf32> to vector<128x128xf32>
        %mul3A_580 = arith.mulf %slice3A_578, %mul3A_579 : vector<128x128xf32>
        %reduce_sum3A_581 = arith.constant dense<0.000000e+00> : vector<128xf32>
        %reduce_sum3A_582 = vector.multi_reduction <add>, %mul3A_580, %reduce_sum3A_581 [0] : vector<128x128xf32> to vector<128xf32>
        %broadcast_in_dim3A_583 = vector.shape_cast %reduce_sum3A_582 : vector<128xf32> to vector<1x128xf32>
        %slice3A_584 = vector.extract_strided_slice %get3A_502 {offsets = [0, 1664], sizes = [128, 128], strides = [1, 1]} : vector<128x2048xf32> to vector<128x128xf32>
        %mul3A_585 = vector.broadcast %get3A_505 : vector<128x1xf32> to vector<128x128xf32>
        %mul3A_586 = arith.mulf %slice3A_584, %mul3A_585 : vector<128x128xf32>
        %reduce_sum3A_587 = arith.constant dense<0.000000e+00> : vector<128xf32>
        %reduce_sum3A_588 = vector.multi_reduction <add>, %mul3A_586, %reduce_sum3A_587 [0] : vector<128x128xf32> to vector<128xf32>
        %broadcast_in_dim3A_589 = vector.shape_cast %reduce_sum3A_588 : vector<128xf32> to vector<1x128xf32>
        %slice3A_590 = vector.extract_strided_slice %get3A_502 {offsets = [0, 1792], sizes = [128, 128], strides = [1, 1]} : vector<128x2048xf32> to vector<128x128xf32>
        %mul3A_591 = vector.broadcast %get3A_505 : vector<128x1xf32> to vector<128x128xf32>
        %mul3A_592 = arith.mulf %slice3A_590, %mul3A_591 : vector<128x128xf32>
        %reduce_sum3A_593 = arith.constant dense<0.000000e+00> : vector<128xf32>
        %reduce_sum3A_594 = vector.multi_reduction <add>, %mul3A_592, %reduce_sum3A_593 [0] : vector<128x128xf32> to vector<128xf32>
        %broadcast_in_dim3A_595 = vector.shape_cast %reduce_sum3A_594 : vector<128xf32> to vector<1x128xf32>
        %slice3A_596 = vector.extract_strided_slice %get3A_502 {offsets = [0, 1920], sizes = [128, 128], strides = [1, 1]} : vector<128x2048xf32> to vector<128x128xf32>
        %mul3A_597 = vector.broadcast %get3A_505 : vector<128x1xf32> to vector<128x128xf32>
        %mul3A_598 = arith.mulf %slice3A_596, %mul3A_597 : vector<128x128xf32>
        %reduce_sum3A_599 = arith.constant dense<0.000000e+00> : vector<128xf32>
        %reduce_sum3A_600 = vector.multi_reduction <add>, %mul3A_598, %reduce_sum3A_599 [0] : vector<128x128xf32> to vector<128xf32>
        %broadcast_in_dim3A_601 = vector.shape_cast %reduce_sum3A_600 : vector<128xf32> to vector<1x128xf32>
        %concatenate3A_602 = tpu.concatenate %broadcast_in_dim3A_511, %broadcast_in_dim3A_517, %broadcast_in_dim3A_523, %broadcast_in_dim3A_529, %broadcast_in_dim3A_535, %broadcast_in_dim3A_541, %broadcast_in_dim3A_547, %broadcast_in_dim3A_553, %broadcast_in_dim3A_559, %broadcast_in_dim3A_565, %broadcast_in_dim3A_571, %broadcast_in_dim3A_577, %broadcast_in_dim3A_583, %broadcast_in_dim3A_589, %broadcast_in_dim3A_595, %broadcast_in_dim3A_601 in 1 : vector<1x128xf32>, vector<1x128xf32>, vector<1x128xf32>, vector<1x128xf32>, vector<1x128xf32>, vector<1x128xf32>, vector<1x128xf32>, vector<1x128xf32>, vector<1x128xf32>, vector<1x128xf32>, vector<1x128xf32>, vector<1x128xf32>, vector<1x128xf32>, vector<1x128xf32>, vector<1x128xf32>, vector<1x128xf32> -> vector<1x2048xf32>
        %mul3A_603 = arith.constant 2048 : i32
        %mul3A_604 = arith.muli %scan3A_420, %mul3A_603 : i32
        %get3A_605 = arith.constant 0 : index
        %get3A_606 = arith.index_cast %mul3A_604 : i32 to index
        %get3A_607 = vector.load %arg4[%get3A_605, %get3A_606] : memref<1x100000xf32, #tpu.memory_space<vmem>>, vector<1x2048xf32>
        %add3A_608 = arith.addf %concatenate3A_602, %get3A_607 : vector<1x2048xf32>
        %mul3A_609 = arith.constant 2048 : i32
        %mul3A_610 = arith.muli %scan3A_420, %mul3A_609 : i32
        %reduce_max3A_611 = vector.shape_cast %add3A_608 : vector<1x2048xf32> to vector<1x1x2048xf32>
        %reduce_max3A_612 = arith.constant dense<0xFF800000> : vector<1xf32>
        %reduce_max3A_613 = vector.multi_reduction <maximumf>, %reduce_max3A_611, %reduce_max3A_612 [1, 2] : vector<1x1x2048xf32> to vector<1xf32>
        %reduce_max3A_614 = vector.shape_cast %reduce_max3A_613 : vector<1xf32> to vector<1x1x1xf32>
        %reduce_max3A_615 = vector.extract %reduce_max3A_614[0, 0, 0] : f32 from vector<1x1x1xf32>
        %get3A_616 = arith.constant 0 : index
        %get3A_617 = arith.constant 0 : index
        %get3A_618 = vector.load %arg8[%get3A_616, %get3A_617] : memref<1x128xf32, #tpu.memory_space<vmem>>, vector<1x128xf32>
        %max3A_619 = vector.broadcast %reduce_max3A_615 : f32 to vector<1x128xf32>
        %max3A_620 = arith.maximumf %get3A_618, %max3A_619 : vector<1x128xf32>
        %slice3A_621 = vector.extract_strided_slice %max3A_620 {offsets = [0, 0], sizes = [1, 1], strides = [1, 1]} : vector<1x128xf32> to vector<1x1xf32>
        %squeeze3A_622 = vector.extract %slice3A_621[0, 0] : f32 from vector<1x1xf32>
        %sub3A_623 = vector.broadcast %squeeze3A_622 : f32 to vector<1x2048xf32>
        %sub3A_624 = arith.subf %add3A_608, %sub3A_623 : vector<1x2048xf32>
        %exp3A_625 = math.exp %sub3A_624 : vector<1x2048xf32>
        %reduce_sum3A_626 = vector.shape_cast %exp3A_625 : vector<1x2048xf32> to vector<1x1x2048xf32>
        %reduce_sum3A_627 = arith.constant dense<0.000000e+00> : vector<1xf32>
        %reduce_sum3A_628 = vector.multi_reduction <add>, %reduce_sum3A_626, %reduce_sum3A_627 [1, 2] : vector<1x1x2048xf32> to vector<1xf32>
        %reduce_sum3A_629 = vector.shape_cast %reduce_sum3A_628 : vector<1xf32> to vector<1x1x1xf32>
        %reduce_sum3A_630 = vector.extract %reduce_sum3A_629[0, 0, 0] : f32 from vector<1x1x1xf32>
        %get3A_631 = arith.constant 0 : index
        %get3A_632 = arith.constant 0 : index
        %get3A_633 = vector.load %arg9[%get3A_631, %get3A_632] : memref<1x128xf32, #tpu.memory_space<vmem>>, vector<1x128xf32>
        %sub3A_634 = arith.subf %get3A_618, %max3A_620 : vector<1x128xf32>
        %exp3A_635 = math.exp %sub3A_634 : vector<1x128xf32>
        %mul3A_636 = arith.mulf %get3A_633, %exp3A_635 : vector<1x128xf32>
        %add3A_637 = vector.broadcast %reduce_sum3A_630 : f32 to vector<1x128xf32>
        %add3A_638 = arith.addf %mul3A_636, %add3A_637 : vector<1x128xf32>
        %swap3A_639 = arith.constant 0 : index
        %swap3A_640 = arith.constant 0 : index
        %swap3A_641 = vector.load %arg9[%swap3A_639, %swap3A_640] : memref<1x128xf32, #tpu.memory_space<vmem>>, vector<1x128xf32>
        tpu.vector_store %arg9[%swap3A_639, %swap3A_640], %add3A_638 {strides = array<i32>} : memref<1x128xf32, #tpu.memory_space<vmem>>, vector<1x128xf32>,
        %swap3A_642 = arith.constant 0 : index
        %swap3A_643 = arith.constant 0 : index
        %swap3A_644 = vector.load %arg8[%swap3A_642, %swap3A_643] : memref<1x128xf32, #tpu.memory_space<vmem>>, vector<1x128xf32>
        tpu.vector_store %arg8[%swap3A_642, %swap3A_643], %max3A_620 {strides = array<i32>} : memref<1x128xf32, #tpu.memory_space<vmem>>, vector<1x128xf32>,
        %swap3A_645 = arith.constant 0 : index
        %swap3A_646 = arith.index_cast %mul3A_610 : i32 to index
        %swap3A_647 = vector.load %arg6[%swap3A_645, %swap3A_646] : memref<1x100000xf32, #tpu.memory_space<vmem>>, vector<1x2048xf32>
        tpu.vector_store %arg6[%swap3A_645, %swap3A_646], %add3A_608 {strides = array<i32>} : memref<1x100000xf32, #tpu.memory_space<vmem>>, vector<1x2048xf32>,
        %add3A_648 = arith.constant 4 : i32
        %add3A_649 = arith.addi %scan3A_420, %add3A_648 : i32
        %lt3A_650 = arith.constant 48 : i32
        %lt3A_651 = arith.cmpi slt, %add3A_649, %lt3A_650 : i32
        %convert_element_type3A_652 = arith.extui %lt3A_651 : i1 to i32
        %cond3A_653 = arith.constant 0 : i32
        %cond3A_654 = arith.cmpi ne, %convert_element_type3A_652, %cond3A_653 : i32
        scf.if %cond3A_654 {
          %add3A_655 = arith.constant 4 : i32
          %add3A_656 = arith.addi %scan3A_420, %add3A_655 : i32
          %mul3A_657 = arith.constant 2048 : i32
          %mul3A_658 = arith.muli %add3A_656, %mul3A_657 : i32
          %dma_start3A_659 = arith.constant 0 : i32
          %dma_start3A_660 = tpu.memref_slice %arg5[%dma_start3A_659, %mul3A_658] : memref<128x100000xf32, #tpu.memory_space<any>> -> memref<128x2048xf32, #tpu.memory_space<any>>
          tpu.enqueue_dma source(%dma_start3A_660 : memref<128x2048xf32, #tpu.memory_space<any>>) target(%arg12 : memref<128x2048xf32, #tpu.memory_space<vmem>>) target_semaphore(%arg17 : memref<!tpu.dma_semaphore, #tpu.memory_space<semaphore_mem>>)
        } else {
        }
      } else {
      }
      %jit3A_475 = arith.constant 4 : i32
      %eq3A_476 = arith.constant 0 : i32
      %eq3A_477 = arith.cmpi eq, %jit3A_475, %eq3A_476 : i32
      %jit3A_478 = arith.constant 1 : i32
      %select_n3A_479 = arith.select %eq3A_477, %jit3A_478, %jit3A_475 : i32
      %rem3A_480 = arith.remsi %scan3A_420, %select_n3A_479 : i32
      %ne3A_481 = arith.constant 0 : i32
      %ne3A_482 = arith.cmpi ne, %rem3A_480, %ne3A_481 : i32
      %lt3A_483 = arith.constant 0 : i32
      %lt3A_484 = arith.cmpi slt, %rem3A_480, %lt3A_483 : i32
      %lt3A_485 = arith.constant 0 : i32
      %lt3A_486 = arith.cmpi slt, %select_n3A_479, %lt3A_485 : i32
      %ne3A_487 = arith.xori %lt3A_484, %lt3A_486 : i1
      %and3A_488 = arith.andi %ne3A_487, %ne3A_482 : i1
      %add3A_489 = arith.addi %rem3A_480, %select_n3A_479 : i32
      %select_n3A_490 = arith.select %and3A_488, %add3A_489, %rem3A_480 : i32
      %eq3A_491 = arith.constant 3 : i32
      %eq3A_492 = arith.cmpi eq, %select_n3A_490, %eq3A_491 : i32
      %convert_element_type3A_493 = arith.extui %eq3A_492 : i1 to i32
      %cond3A_494 = arith.constant 0 : i32
      %cond3A_495 = arith.cmpi ne, %convert_element_type3A_493, %cond3A_494 : i32
      scf.if %cond3A_495 {
        %mul3A_496 = arith.constant 2048 : i32
        %mul3A_497 = arith.muli %scan3A_420, %mul3A_496 : i32
        %dma_wait3A_498 = arith.constant 0 : i32
        %dma_wait3A_499 = tpu.memref_slice %arg5[%dma_wait3A_498, %mul3A_497] : memref<128x100000xf32, #tpu.memory_space<any>> -> memref<128x2048xf32, #tpu.memory_space<any>>
        tpu.wait_dma2 semaphore(%arg18 : memref<!tpu.dma_semaphore, #tpu.memory_space<semaphore_mem>>) src(%dma_wait3A_499 : memref<128x2048xf32, #tpu.memory_space<any>>) dst(%arg13 : memref<128x2048xf32, #tpu.memory_space<vmem>>)
        %get3A_500 = arith.constant 0 : index
        %get3A_501 = arith.constant 0 : index
        %get3A_502 = vector.load %arg13[%get3A_500, %get3A_501] : memref<128x2048xf32, #tpu.memory_space<vmem>>, vector<128x2048xf32>
        %get3A_503 = arith.constant 0 : index
        %get3A_504 = arith.constant 0 : index
        %get3A_505 = vector.load %arg7[%get3A_503, %get3A_504] : memref<128x1xf32, #tpu.memory_space<vmem>>, vector<128x1xf32>
        %slice3A_506 = vector.extract_strided_slice %get3A_502 {offsets = [0, 0], sizes = [128, 128], strides = [1, 1]} : vector<128x2048xf32> to vector<128x128xf32>
        %mul3A_507 = vector.broadcast %get3A_505 : vector<128x1xf32> to vector<128x128xf32>
        %mul3A_508 = arith.mulf %slice3A_506, %mul3A_507 : vector<128x128xf32>
        %reduce_sum3A_509 = arith.constant dense<0.000000e+00> : vector<128xf32>
        %reduce_sum3A_510 = vector.multi_reduction <add>, %mul3A_508, %reduce_sum3A_509 [0] : vector<128x128xf32> to vector<128xf32>
        %broadcast_in_dim3A_511 = vector.shape_cast %reduce_sum3A_510 : vector<128xf32> to vector<1x128xf32>
        %slice3A_512 = vector.extract_strided_slice %get3A_502 {offsets = [0, 128], sizes = [128, 128], strides = [1, 1]} : vector<128x2048xf32> to vector<128x128xf32>
        %mul3A_513 = vector.broadcast %get3A_505 : vector<128x1xf32> to vector<128x128xf32>
        %mul3A_514 = arith.mulf %slice3A_512, %mul3A_513 : vector<128x128xf32>
        %reduce_sum3A_515 = arith.constant dense<0.000000e+00> : vector<128xf32>
        %reduce_sum3A_516 = vector.multi_reduction <add>, %mul3A_514, %reduce_sum3A_515 [0] : vector<128x128xf32> to vector<128xf32>
        %broadcast_in_dim3A_517 = vector.shape_cast %reduce_sum3A_516 : vector<128xf32> to vector<1x128xf32>
        %slice3A_518 = vector.extract_strided_slice %get3A_502 {offsets = [0, 256], sizes = [128, 128], strides = [1, 1]} : vector<128x2048xf32> to vector<128x128xf32>
        %mul3A_519 = vector.broadcast %get3A_505 : vector<128x1xf32> to vector<128x128xf32>
        %mul3A_520 = arith.mulf %slice3A_518, %mul3A_519 : vector<128x128xf32>
        %reduce_sum3A_521 = arith.constant dense<0.000000e+00> : vector<128xf32>
        %reduce_sum3A_522 = vector.multi_reduction <add>, %mul3A_520, %reduce_sum3A_521 [0] : vector<128x128xf32> to vector<128xf32>
        %broadcast_in_dim3A_523 = vector.shape_cast %reduce_sum3A_522 : vector<128xf32> to vector<1x128xf32>
        %slice3A_524 = vector.extract_strided_slice %get3A_502 {offsets = [0, 384], sizes = [128, 128], strides = [1, 1]} : vector<128x2048xf32> to vector<128x128xf32>
        %mul3A_525 = vector.broadcast %get3A_505 : vector<128x1xf32> to vector<128x128xf32>
        %mul3A_526 = arith.mulf %slice3A_524, %mul3A_525 : vector<128x128xf32>
        %reduce_sum3A_527 = arith.constant dense<0.000000e+00> : vector<128xf32>
        %reduce_sum3A_528 = vector.multi_reduction <add>, %mul3A_526, %reduce_sum3A_527 [0] : vector<128x128xf32> to vector<128xf32>
        %broadcast_in_dim3A_529 = vector.shape_cast %reduce_sum3A_528 : vector<128xf32> to vector<1x128xf32>
        %slice3A_530 = vector.extract_strided_slice %get3A_502 {offsets = [0, 512], sizes = [128, 128], strides = [1, 1]} : vector<128x2048xf32> to vector<128x128xf32>
        %mul3A_531 = vector.broadcast %get3A_505 : vector<128x1xf32> to vector<128x128xf32>
        %mul3A_532 = arith.mulf %slice3A_530, %mul3A_531 : vector<128x128xf32>
        %reduce_sum3A_533 = arith.constant dense<0.000000e+00> : vector<128xf32>
        %reduce_sum3A_534 = vector.multi_reduction <add>, %mul3A_532, %reduce_sum3A_533 [0] : vector<128x128xf32> to vector<128xf32>
        %broadcast_in_dim3A_535 = vector.shape_cast %reduce_sum3A_534 : vector<128xf32> to vector<1x128xf32>
        %slice3A_536 = vector.extract_strided_slice %get3A_502 {offsets = [0, 640], sizes = [128, 128], strides = [1, 1]} : vector<128x2048xf32> to vector<128x128xf32>
        %mul3A_537 = vector.broadcast %get3A_505 : vector<128x1xf32> to vector<128x128xf32>
        %mul3A_538 = arith.mulf %slice3A_536, %mul3A_537 : vector<128x128xf32>
        %reduce_sum3A_539 = arith.constant dense<0.000000e+00> : vector<128xf32>
        %reduce_sum3A_540 = vector.multi_reduction <add>, %mul3A_538, %reduce_sum3A_539 [0] : vector<128x128xf32> to vector<128xf32>
        %broadcast_in_dim3A_541 = vector.shape_cast %reduce_sum3A_540 : vector<128xf32> to vector<1x128xf32>
        %slice3A_542 = vector.extract_strided_slice %get3A_502 {offsets = [0, 768], sizes = [128, 128], strides = [1, 1]} : vector<128x2048xf32> to vector<128x128xf32>
        %mul3A_543 = vector.broadcast %get3A_505 : vector<128x1xf32> to vector<128x128xf32>
        %mul3A_544 = arith.mulf %slice3A_542, %mul3A_543 : vector<128x128xf32>
        %reduce_sum3A_545 = arith.constant dense<0.000000e+00> : vector<128xf32>
        %reduce_sum3A_546 = vector.multi_reduction <add>, %mul3A_544, %reduce_sum3A_545 [0] : vector<128x128xf32> to vector<128xf32>
        %broadcast_in_dim3A_547 = vector.shape_cast %reduce_sum3A_546 : vector<128xf32> to vector<1x128xf32>
        %slice3A_548 = vector.extract_strided_slice %get3A_502 {offsets = [0, 896], sizes = [128, 128], strides = [1, 1]} : vector<128x2048xf32> to vector<128x128xf32>
        %mul3A_549 = vector.broadcast %get3A_505 : vector<128x1xf32> to vector<128x128xf32>
        %mul3A_550 = arith.mulf %slice3A_548, %mul3A_549 : vector<128x128xf32>
        %reduce_sum3A_551 = arith.constant dense<0.000000e+00> : vector<128xf32>
        %reduce_sum3A_552 = vector.multi_reduction <add>, %mul3A_550, %reduce_sum3A_551 [0] : vector<128x128xf32> to vector<128xf32>
        %broadcast_in_dim3A_553 = vector.shape_cast %reduce_sum3A_552 : vector<128xf32> to vector<1x128xf32>
        %slice3A_554 = vector.extract_strided_slice %get3A_502 {offsets = [0, 1024], sizes = [128, 128], strides = [1, 1]} : vector<128x2048xf32> to vector<128x128xf32>
        %mul3A_555 = vector.broadcast %get3A_505 : vector<128x1xf32> to vector<128x128xf32>
        %mul3A_556 = arith.mulf %slice3A_554, %mul3A_555 : vector<128x128xf32>
        %reduce_sum3A_557 = arith.constant dense<0.000000e+00> : vector<128xf32>
        %reduce_sum3A_558 = vector.multi_reduction <add>, %mul3A_556, %reduce_sum3A_557 [0] : vector<128x128xf32> to vector<128xf32>
        %broadcast_in_dim3A_559 = vector.shape_cast %reduce_sum3A_558 : vector<128xf32> to vector<1x128xf32>
        %slice3A_560 = vector.extract_strided_slice %get3A_502 {offsets = [0, 1152], sizes = [128, 128], strides = [1, 1]} : vector<128x2048xf32> to vector<128x128xf32>
        %mul3A_561 = vector.broadcast %get3A_505 : vector<128x1xf32> to vector<128x128xf32>
        %mul3A_562 = arith.mulf %slice3A_560, %mul3A_561 : vector<128x128xf32>
        %reduce_sum3A_563 = arith.constant dense<0.000000e+00> : vector<128xf32>
        %reduce_sum3A_564 = vector.multi_reduction <add>, %mul3A_562, %reduce_sum3A_563 [0] : vector<128x128xf32> to vector<128xf32>
        %broadcast_in_dim3A_565 = vector.shape_cast %reduce_sum3A_564 : vector<128xf32> to vector<1x128xf32>
        %slice3A_566 = vector.extract_strided_slice %get3A_502 {offsets = [0, 1280], sizes = [128, 128], strides = [1, 1]} : vector<128x2048xf32> to vector<128x128xf32>
        %mul3A_567 = vector.broadcast %get3A_505 : vector<128x1xf32> to vector<128x128xf32>
        %mul3A_568 = arith.mulf %slice3A_566, %mul3A_567 : vector<128x128xf32>
        %reduce_sum3A_569 = arith.constant dense<0.000000e+00> : vector<128xf32>
        %reduce_sum3A_570 = vector.multi_reduction <add>, %mul3A_568, %reduce_sum3A_569 [0] : vector<128x128xf32> to vector<128xf32>
        %broadcast_in_dim3A_571 = vector.shape_cast %reduce_sum3A_570 : vector<128xf32> to vector<1x128xf32>
        %slice3A_572 = vector.extract_strided_slice %get3A_502 {offsets = [0, 1408], sizes = [128, 128], strides = [1, 1]} : vector<128x2048xf32> to vector<128x128xf32>
        %mul3A_573 = vector.broadcast %get3A_505 : vector<128x1xf32> to vector<128x128xf32>
        %mul3A_574 = arith.mulf %slice3A_572, %mul3A_573 : vector<128x128xf32>
        %reduce_sum3A_575 = arith.constant dense<0.000000e+00> : vector<128xf32>
        %reduce_sum3A_576 = vector.multi_reduction <add>, %mul3A_574, %reduce_sum3A_575 [0] : vector<128x128xf32> to vector<128xf32>
        %broadcast_in_dim3A_577 = vector.shape_cast %reduce_sum3A_576 : vector<128xf32> to vector<1x128xf32>
        %slice3A_578 = vector.extract_strided_slice %get3A_502 {offsets = [0, 1536], sizes = [128, 128], strides = [1, 1]} : vector<128x2048xf32> to vector<128x128xf32>
        %mul3A_579 = vector.broadcast %get3A_505 : vector<128x1xf32> to vector<128x128xf32>
        %mul3A_580 = arith.mulf %slice3A_578, %mul3A_579 : vector<128x128xf32>
        %reduce_sum3A_581 = arith.constant dense<0.000000e+00> : vector<128xf32>
        %reduce_sum3A_582 = vector.multi_reduction <add>, %mul3A_580, %reduce_sum3A_581 [0] : vector<128x128xf32> to vector<128xf32>
        %broadcast_in_dim3A_583 = vector.shape_cast %reduce_sum3A_582 : vector<128xf32> to vector<1x128xf32>
        %slice3A_584 = vector.extract_strided_slice %get3A_502 {offsets = [0, 1664], sizes = [128, 128], strides = [1, 1]} : vector<128x2048xf32> to vector<128x128xf32>
        %mul3A_585 = vector.broadcast %get3A_505 : vector<128x1xf32> to vector<128x128xf32>
        %mul3A_586 = arith.mulf %slice3A_584, %mul3A_585 : vector<128x128xf32>
        %reduce_sum3A_587 = arith.constant dense<0.000000e+00> : vector<128xf32>
        %reduce_sum3A_588 = vector.multi_reduction <add>, %mul3A_586, %reduce_sum3A_587 [0] : vector<128x128xf32> to vector<128xf32>
        %broadcast_in_dim3A_589 = vector.shape_cast %reduce_sum3A_588 : vector<128xf32> to vector<1x128xf32>
        %slice3A_590 = vector.extract_strided_slice %get3A_502 {offsets = [0, 1792], sizes = [128, 128], strides = [1, 1]} : vector<128x2048xf32> to vector<128x128xf32>
        %mul3A_591 = vector.broadcast %get3A_505 : vector<128x1xf32> to vector<128x128xf32>
        %mul3A_592 = arith.mulf %slice3A_590, %mul3A_591 : vector<128x128xf32>
        %reduce_sum3A_593 = arith.constant dense<0.000000e+00> : vector<128xf32>
        %reduce_sum3A_594 = vector.multi_reduction <add>, %mul3A_592, %reduce_sum3A_593 [0] : vector<128x128xf32> to vector<128xf32>
        %broadcast_in_dim3A_595 = vector.shape_cast %reduce_sum3A_594 : vector<128xf32> to vector<1x128xf32>
        %slice3A_596 = vector.extract_strided_slice %get3A_502 {offsets = [0, 1920], sizes = [128, 128], strides = [1, 1]} : vector<128x2048xf32> to vector<128x128xf32>
        %mul3A_597 = vector.broadcast %get3A_505 : vector<128x1xf32> to vector<128x128xf32>
        %mul3A_598 = arith.mulf %slice3A_596, %mul3A_597 : vector<128x128xf32>
        %reduce_sum3A_599 = arith.constant dense<0.000000e+00> : vector<128xf32>
        %reduce_sum3A_600 = vector.multi_reduction <add>, %mul3A_598, %reduce_sum3A_599 [0] : vector<128x128xf32> to vector<128xf32>
        %broadcast_in_dim3A_601 = vector.shape_cast %reduce_sum3A_600 : vector<128xf32> to vector<1x128xf32>
        %concatenate3A_602 = tpu.concatenate %broadcast_in_dim3A_511, %broadcast_in_dim3A_517, %broadcast_in_dim3A_523, %broadcast_in_dim3A_529, %broadcast_in_dim3A_535, %broadcast_in_dim3A_541, %broadcast_in_dim3A_547, %broadcast_in_dim3A_553, %broadcast_in_dim3A_559, %broadcast_in_dim3A_565, %broadcast_in_dim3A_571, %broadcast_in_dim3A_577, %broadcast_in_dim3A_583, %broadcast_in_dim3A_589, %broadcast_in_dim3A_595, %broadcast_in_dim3A_601 in 1 : vector<1x128xf32>, vector<1x128xf32>, vector<1x128xf32>, vector<1x128xf32>, vector<1x128xf32>, vector<1x128xf32>, vector<1x128xf32>, vector<1x128xf32>, vector<1x128xf32>, vector<1x128xf32>, vector<1x128xf32>, vector<1x128xf32>, vector<1x128xf32>, vector<1x128xf32>, vector<1x128xf32>, vector<1x128xf32> -> vector<1x2048xf32>
        %mul3A_603 = arith.constant 2048 : i32
        %mul3A_604 = arith.muli %scan3A_420, %mul3A_603 : i32
        %get3A_605 = arith.constant 0 : index
        %get3A_606 = arith.index_cast %mul3A_604 : i32 to index
        %get3A_607 = vector.load %arg4[%get3A_605, %get3A_606] : memref<1x100000xf32, #tpu.memory_space<vmem>>, vector<1x2048xf32>
        %add3A_608 = arith.addf %concatenate3A_602, %get3A_607 : vector<1x2048xf32>
        %mul3A_609 = arith.constant 2048 : i32
        %mul3A_610 = arith.muli %scan3A_420, %mul3A_609 : i32
        %reduce_max3A_611 = vector.shape_cast %add3A_608 : vector<1x2048xf32> to vector<1x1x2048xf32>
        %reduce_max3A_612 = arith.constant dense<0xFF800000> : vector<1xf32>
        %reduce_max3A_613 = vector.multi_reduction <maximumf>, %reduce_max3A_611, %reduce_max3A_612 [1, 2] : vector<1x1x2048xf32> to vector<1xf32>
        %reduce_max3A_614 = vector.shape_cast %reduce_max3A_613 : vector<1xf32> to vector<1x1x1xf32>
        %reduce_max3A_615 = vector.extract %reduce_max3A_614[0, 0, 0] : f32 from vector<1x1x1xf32>
        %get3A_616 = arith.constant 0 : index
        %get3A_617 = arith.constant 0 : index
        %get3A_618 = vector.load %arg8[%get3A_616, %get3A_617] : memref<1x128xf32, #tpu.memory_space<vmem>>, vector<1x128xf32>
        %max3A_619 = vector.broadcast %reduce_max3A_615 : f32 to vector<1x128xf32>
        %max3A_620 = arith.maximumf %get3A_618, %max3A_619 : vector<1x128xf32>
        %slice3A_621 = vector.extract_strided_slice %max3A_620 {offsets = [0, 0], sizes = [1, 1], strides = [1, 1]} : vector<1x128xf32> to vector<1x1xf32>
        %squeeze3A_622 = vector.extract %slice3A_621[0, 0] : f32 from vector<1x1xf32>
        %sub3A_623 = vector.broadcast %squeeze3A_622 : f32 to vector<1x2048xf32>
        %sub3A_624 = arith.subf %add3A_608, %sub3A_623 : vector<1x2048xf32>
        %exp3A_625 = math.exp %sub3A_624 : vector<1x2048xf32>
        %reduce_sum3A_626 = vector.shape_cast %exp3A_625 : vector<1x2048xf32> to vector<1x1x2048xf32>
        %reduce_sum3A_627 = arith.constant dense<0.000000e+00> : vector<1xf32>
        %reduce_sum3A_628 = vector.multi_reduction <add>, %reduce_sum3A_626, %reduce_sum3A_627 [1, 2] : vector<1x1x2048xf32> to vector<1xf32>
        %reduce_sum3A_629 = vector.shape_cast %reduce_sum3A_628 : vector<1xf32> to vector<1x1x1xf32>
        %reduce_sum3A_630 = vector.extract %reduce_sum3A_629[0, 0, 0] : f32 from vector<1x1x1xf32>
        %get3A_631 = arith.constant 0 : index
        %get3A_632 = arith.constant 0 : index
        %get3A_633 = vector.load %arg9[%get3A_631, %get3A_632] : memref<1x128xf32, #tpu.memory_space<vmem>>, vector<1x128xf32>
        %sub3A_634 = arith.subf %get3A_618, %max3A_620 : vector<1x128xf32>
        %exp3A_635 = math.exp %sub3A_634 : vector<1x128xf32>
        %mul3A_636 = arith.mulf %get3A_633, %exp3A_635 : vector<1x128xf32>
        %add3A_637 = vector.broadcast %reduce_sum3A_630 : f32 to vector<1x128xf32>
        %add3A_638 = arith.addf %mul3A_636, %add3A_637 : vector<1x128xf32>
        %swap3A_639 = arith.constant 0 : index
        %swap3A_640 = arith.constant 0 : index
        %swap3A_641 = vector.load %arg9[%swap3A_639, %swap3A_640] : memref<1x128xf32, #tpu.memory_space<vmem>>, vector<1x128xf32>
        tpu.vector_store %arg9[%swap3A_639, %swap3A_640], %add3A_638 {strides = array<i32>} : memref<1x128xf32, #tpu.memory_space<vmem>>, vector<1x128xf32>,
        %swap3A_642 = arith.constant 0 : index
        %swap3A_643 = arith.constant 0 : index
        %swap3A_644 = vector.load %arg8[%swap3A_642, %swap3A_643] : memref<1x128xf32, #tpu.memory_space<vmem>>, vector<1x128xf32>
        tpu.vector_store %arg8[%swap3A_642, %swap3A_643], %max3A_620 {strides = array<i32>} : memref<1x128xf32, #tpu.memory_space<vmem>>, vector<1x128xf32>,
        %swap3A_645 = arith.constant 0 : index
        %swap3A_646 = arith.index_cast %mul3A_610 : i32 to index
        %swap3A_647 = vector.load %arg6[%swap3A_645, %swap3A_646] : memref<1x100000xf32, #tpu.memory_space<vmem>>, vector<1x2048xf32>
        tpu.vector_store %arg6[%swap3A_645, %swap3A_646], %add3A_608 {strides = array<i32>} : memref<1x100000xf32, #tpu.memory_space<vmem>>, vector<1x2048xf32>,
        %add3A_648 = arith.constant 4 : i32
        %add3A_649 = arith.addi %scan3A_420, %add3A_648 : i32
        %lt3A_650 = arith.constant 48 : i32
        %lt3A_651 = arith.cmpi slt, %add3A_649, %lt3A_650 : i32
        %convert_element_type3A_652 = arith.extui %lt3A_651 : i1 to i32
        %cond3A_653 = arith.constant 0 : i32
        %cond3A_654 = arith.cmpi ne, %convert_element_type3A_652, %cond3A_653 : i32
        scf.if %cond3A_654 {
          %add3A_655 = arith.constant 4 : i32
          %add3A_656 = arith.addi %scan3A_420, %add3A_655 : i32
          %mul3A_657 = arith.constant 2048 : i32
          %mul3A_658 = arith.muli %add3A_656, %mul3A_657 : i32
          %dma_start3A_659 = arith.constant 0 : i32
          %dma_start3A_660 = tpu.memref_slice %arg5[%dma_start3A_659, %mul3A_658] : memref<128x100000xf32, #tpu.memory_space<any>> -> memref<128x2048xf32, #tpu.memory_space<any>>
          tpu.enqueue_dma source(%dma_start3A_660 : memref<128x2048xf32, #tpu.memory_space<any>>) target(%arg13 : memref<128x2048xf32, #tpu.memory_space<vmem>>) target_semaphore(%arg18 : memref<!tpu.dma_semaphore, #tpu.memory_space<semaphore_mem>>)
        } else {
        }
      } else {
      }
    }
    %scan3A_275 = arith.constant 48 : i32
    %dma_wait3A = arith.constant 0 : i32
    %dma_wait3A_276 = arith.constant 98304 : i32
    %dma_wait3A_277 = tpu.memref_slice %arg5[%dma_wait3A, %dma_wait3A_276] : memref<128x100000xf32, #tpu.memory_space<any>> -> memref<128x1696xf32, #tpu.memory_space<any>>
    tpu.wait_dma2 semaphore(%arg19 : memref<!tpu.dma_semaphore, #tpu.memory_space<semaphore_mem>>) src(%dma_wait3A_277 : memref<128x1696xf32, #tpu.memory_space<any>>) dst(%arg14 : memref<128x1696xf32, #tpu.memory_space<vmem>>)
    %get3A_278 = arith.constant 0 : index
    %get3A_279 = arith.constant 0 : index
    %get3A_280 = vector.load %arg14[%get3A_278, %get3A_279] : memref<128x1696xf32, #tpu.memory_space<vmem>>, vector<128x1696xf32>
    %get3A_281 = arith.constant 0 : index
    %get3A_282 = arith.constant 0 : index
    %get3A_283 = vector.load %arg7[%get3A_281, %get3A_282] : memref<128x1xf32, #tpu.memory_space<vmem>>, vector<128x1xf32>
    %slice3A_284 = vector.extract_strided_slice %get3A_280 {offsets = [0, 0], sizes = [128, 128], strides = [1, 1]} : vector<128x1696xf32> to vector<128x128xf32>
    %mul3A_285 = vector.broadcast %get3A_283 : vector<128x1xf32> to vector<128x128xf32>
    %mul3A_286 = arith.mulf %slice3A_284, %mul3A_285 : vector<128x128xf32>
    %reduce_sum3A_287 = arith.constant dense<0.000000e+00> : vector<128xf32>
    %reduce_sum3A_288 = vector.multi_reduction <add>, %mul3A_286, %reduce_sum3A_287 [0] : vector<128x128xf32> to vector<128xf32>
    %broadcast_in_dim3A_289 = vector.shape_cast %reduce_sum3A_288 : vector<128xf32> to vector<1x128xf32>
    %slice3A_290 = vector.extract_strided_slice %get3A_280 {offsets = [0, 128], sizes = [128, 128], strides = [1, 1]} : vector<128x1696xf32> to vector<128x128xf32>
    %mul3A_291 = vector.broadcast %get3A_283 : vector<128x1xf32> to vector<128x128xf32>
    %mul3A_292 = arith.mulf %slice3A_290, %mul3A_291 : vector<128x128xf32>
    %reduce_sum3A_293 = arith.constant dense<0.000000e+00> : vector<128xf32>
    %reduce_sum3A_294 = vector.multi_reduction <add>, %mul3A_292, %reduce_sum3A_293 [0] : vector<128x128xf32> to vector<128xf32>
    %broadcast_in_dim3A_295 = vector.shape_cast %reduce_sum3A_294 : vector<128xf32> to vector<1x128xf32>
    %slice3A_296 = vector.extract_strided_slice %get3A_280 {offsets = [0, 256], sizes = [128, 128], strides = [1, 1]} : vector<128x1696xf32> to vector<128x128xf32>
    %mul3A_297 = vector.broadcast %get3A_283 : vector<128x1xf32> to vector<128x128xf32>
    %mul3A_298 = arith.mulf %slice3A_296, %mul3A_297 : vector<128x128xf32>
    %reduce_sum3A_299 = arith.constant dense<0.000000e+00> : vector<128xf32>
    %reduce_sum3A_300 = vector.multi_reduction <add>, %mul3A_298, %reduce_sum3A_299 [0] : vector<128x128xf32> to vector<128xf32>
    %broadcast_in_dim3A_301 = vector.shape_cast %reduce_sum3A_300 : vector<128xf32> to vector<1x128xf32>
    %slice3A_302 = vector.extract_strided_slice %get3A_280 {offsets = [0, 384], sizes = [128, 128], strides = [1, 1]} : vector<128x1696xf32> to vector<128x128xf32>
    %mul3A_303 = vector.broadcast %get3A_283 : vector<128x1xf32> to vector<128x128xf32>
    %mul3A_304 = arith.mulf %slice3A_302, %mul3A_303 : vector<128x128xf32>
    %reduce_sum3A_305 = arith.constant dense<0.000000e+00> : vector<128xf32>
    %reduce_sum3A_306 = vector.multi_reduction <add>, %mul3A_304, %reduce_sum3A_305 [0] : vector<128x128xf32> to vector<128xf32>
    %broadcast_in_dim3A_307 = vector.shape_cast %reduce_sum3A_306 : vector<128xf32> to vector<1x128xf32>
    %slice3A_308 = vector.extract_strided_slice %get3A_280 {offsets = [0, 512], sizes = [128, 128], strides = [1, 1]} : vector<128x1696xf32> to vector<128x128xf32>
    %mul3A_309 = vector.broadcast %get3A_283 : vector<128x1xf32> to vector<128x128xf32>
    %mul3A_310 = arith.mulf %slice3A_308, %mul3A_309 : vector<128x128xf32>
    %reduce_sum3A_311 = arith.constant dense<0.000000e+00> : vector<128xf32>
    %reduce_sum3A_312 = vector.multi_reduction <add>, %mul3A_310, %reduce_sum3A_311 [0] : vector<128x128xf32> to vector<128xf32>
    %broadcast_in_dim3A_313 = vector.shape_cast %reduce_sum3A_312 : vector<128xf32> to vector<1x128xf32>
    %slice3A_314 = vector.extract_strided_slice %get3A_280 {offsets = [0, 640], sizes = [128, 128], strides = [1, 1]} : vector<128x1696xf32> to vector<128x128xf32>
    %mul3A_315 = vector.broadcast %get3A_283 : vector<128x1xf32> to vector<128x128xf32>
    %mul3A_316 = arith.mulf %slice3A_314, %mul3A_315 : vector<128x128xf32>
    %reduce_sum3A_317 = arith.constant dense<0.000000e+00> : vector<128xf32>
    %reduce_sum3A_318 = vector.multi_reduction <add>, %mul3A_316, %reduce_sum3A_317 [0] : vector<128x128xf32> to vector<128xf32>
    %broadcast_in_dim3A_319 = vector.shape_cast %reduce_sum3A_318 : vector<128xf32> to vector<1x128xf32>
    %slice3A_320 = vector.extract_strided_slice %get3A_280 {offsets = [0, 768], sizes = [128, 128], strides = [1, 1]} : vector<128x1696xf32> to vector<128x128xf32>
    %mul3A_321 = vector.broadcast %get3A_283 : vector<128x1xf32> to vector<128x128xf32>
    %mul3A_322 = arith.mulf %slice3A_320, %mul3A_321 : vector<128x128xf32>
    %reduce_sum3A_323 = arith.constant dense<0.000000e+00> : vector<128xf32>
    %reduce_sum3A_324 = vector.multi_reduction <add>, %mul3A_322, %reduce_sum3A_323 [0] : vector<128x128xf32> to vector<128xf32>
    %broadcast_in_dim3A_325 = vector.shape_cast %reduce_sum3A_324 : vector<128xf32> to vector<1x128xf32>
    %slice3A_326 = vector.extract_strided_slice %get3A_280 {offsets = [0, 896], sizes = [128, 128], strides = [1, 1]} : vector<128x1696xf32> to vector<128x128xf32>
    %mul3A_327 = vector.broadcast %get3A_283 : vector<128x1xf32> to vector<128x128xf32>
    %mul3A_328 = arith.mulf %slice3A_326, %mul3A_327 : vector<128x128xf32>
    %reduce_sum3A_329 = arith.constant dense<0.000000e+00> : vector<128xf32>
    %reduce_sum3A_330 = vector.multi_reduction <add>, %mul3A_328, %reduce_sum3A_329 [0] : vector<128x128xf32> to vector<128xf32>
    %broadcast_in_dim3A_331 = vector.shape_cast %reduce_sum3A_330 : vector<128xf32> to vector<1x128xf32>
    %slice3A_332 = vector.extract_strided_slice %get3A_280 {offsets = [0, 1024], sizes = [128, 128], strides = [1, 1]} : vector<128x1696xf32> to vector<128x128xf32>
    %mul3A_333 = vector.broadcast %get3A_283 : vector<128x1xf32> to vector<128x128xf32>
    %mul3A_334 = arith.mulf %slice3A_332, %mul3A_333 : vector<128x128xf32>
    %reduce_sum3A_335 = arith.constant dense<0.000000e+00> : vector<128xf32>
    %reduce_sum3A_336 = vector.multi_reduction <add>, %mul3A_334, %reduce_sum3A_335 [0] : vector<128x128xf32> to vector<128xf32>
    %broadcast_in_dim3A_337 = vector.shape_cast %reduce_sum3A_336 : vector<128xf32> to vector<1x128xf32>
    %slice3A_338 = vector.extract_strided_slice %get3A_280 {offsets = [0, 1152], sizes = [128, 128], strides = [1, 1]} : vector<128x1696xf32> to vector<128x128xf32>
    %mul3A_339 = vector.broadcast %get3A_283 : vector<128x1xf32> to vector<128x128xf32>
    %mul3A_340 = arith.mulf %slice3A_338, %mul3A_339 : vector<128x128xf32>
    %reduce_sum3A_341 = arith.constant dense<0.000000e+00> : vector<128xf32>
    %reduce_sum3A_342 = vector.multi_reduction <add>, %mul3A_340, %reduce_sum3A_341 [0] : vector<128x128xf32> to vector<128xf32>
    %broadcast_in_dim3A_343 = vector.shape_cast %reduce_sum3A_342 : vector<128xf32> to vector<1x128xf32>
    %slice3A_344 = vector.extract_strided_slice %get3A_280 {offsets = [0, 1280], sizes = [128, 128], strides = [1, 1]} : vector<128x1696xf32> to vector<128x128xf32>
    %mul3A_345 = vector.broadcast %get3A_283 : vector<128x1xf32> to vector<128x128xf32>
    %mul3A_346 = arith.mulf %slice3A_344, %mul3A_345 : vector<128x128xf32>
    %reduce_sum3A_347 = arith.constant dense<0.000000e+00> : vector<128xf32>
    %reduce_sum3A_348 = vector.multi_reduction <add>, %mul3A_346, %reduce_sum3A_347 [0] : vector<128x128xf32> to vector<128xf32>
    %broadcast_in_dim3A_349 = vector.shape_cast %reduce_sum3A_348 : vector<128xf32> to vector<1x128xf32>
    %slice3A_350 = vector.extract_strided_slice %get3A_280 {offsets = [0, 1408], sizes = [128, 128], strides = [1, 1]} : vector<128x1696xf32> to vector<128x128xf32>
    %mul3A_351 = vector.broadcast %get3A_283 : vector<128x1xf32> to vector<128x128xf32>
    %mul3A_352 = arith.mulf %slice3A_350, %mul3A_351 : vector<128x128xf32>
    %reduce_sum3A_353 = arith.constant dense<0.000000e+00> : vector<128xf32>
    %reduce_sum3A_354 = vector.multi_reduction <add>, %mul3A_352, %reduce_sum3A_353 [0] : vector<128x128xf32> to vector<128xf32>
    %broadcast_in_dim3A_355 = vector.shape_cast %reduce_sum3A_354 : vector<128xf32> to vector<1x128xf32>
    %slice3A_356 = vector.extract_strided_slice %get3A_280 {offsets = [0, 1536], sizes = [128, 128], strides = [1, 1]} : vector<128x1696xf32> to vector<128x128xf32>
    %mul3A_357 = vector.broadcast %get3A_283 : vector<128x1xf32> to vector<128x128xf32>
    %mul3A_358 = arith.mulf %slice3A_356, %mul3A_357 : vector<128x128xf32>
    %reduce_sum3A_359 = arith.constant dense<0.000000e+00> : vector<128xf32>
    %reduce_sum3A_360 = vector.multi_reduction <add>, %mul3A_358, %reduce_sum3A_359 [0] : vector<128x128xf32> to vector<128xf32>
    %broadcast_in_dim3A_361 = vector.shape_cast %reduce_sum3A_360 : vector<128xf32> to vector<1x128xf32>
    %slice3A_362 = vector.extract_strided_slice %get3A_280 {offsets = [0, 1664], sizes = [128, 32], strides = [1, 1]} : vector<128x1696xf32> to vector<128x32xf32>
    %mul3A_363 = vector.broadcast %get3A_283 : vector<128x1xf32> to vector<128x32xf32>
    %mul3A_364 = arith.mulf %slice3A_362, %mul3A_363 : vector<128x32xf32>
    %reduce_sum3A_365 = arith.constant dense<0.000000e+00> : vector<32xf32>
    %reduce_sum3A_366 = vector.multi_reduction <add>, %mul3A_364, %reduce_sum3A_365 [0] : vector<128x32xf32> to vector<32xf32>
    %broadcast_in_dim3A_367 = vector.shape_cast %reduce_sum3A_366 : vector<32xf32> to vector<1x32xf32>
    %concatenate3A = tpu.concatenate %broadcast_in_dim3A_289, %broadcast_in_dim3A_295, %broadcast_in_dim3A_301, %broadcast_in_dim3A_307, %broadcast_in_dim3A_313, %broadcast_in_dim3A_319, %broadcast_in_dim3A_325, %broadcast_in_dim3A_331, %broadcast_in_dim3A_337, %broadcast_in_dim3A_343, %broadcast_in_dim3A_349, %broadcast_in_dim3A_355, %broadcast_in_dim3A_361, %broadcast_in_dim3A_367 in 1 : vector<1x128xf32>, vector<1x128xf32>, vector<1x128xf32>, vector<1x128xf32>, vector<1x128xf32>, vector<1x128xf32>, vector<1x128xf32>, vector<1x128xf32>, vector<1x128xf32>, vector<1x128xf32>, vector<1x128xf32>, vector<1x128xf32>, vector<1x128xf32>, vector<1x32xf32> -> vector<1x1696xf32>
    %get3A_368 = arith.constant 0 : index
    %get3A_369 = arith.constant 98304 : index
    %get3A_370 = vector.load %arg4[%get3A_368, %get3A_369] : memref<1x100000xf32, #tpu.memory_space<vmem>>, vector<1x1696xf32>
    %add3A_371 = arith.addf %concatenate3A, %get3A_370 : vector<1x1696xf32>
    %reduce_max3A = vector.shape_cast %add3A_371 : vector<1x1696xf32> to vector<1x1x1696xf32>
    %reduce_max3A_372 = arith.constant dense<0xFF800000> : vector<1xf32>
    %reduce_max3A_373 = vector.multi_reduction <maximumf>, %reduce_max3A, %reduce_max3A_372 [1, 2] : vector<1x1x1696xf32> to vector<1xf32>
    %reduce_max3A_374 = vector.shape_cast %reduce_max3A_373 : vector<1xf32> to vector<1x1x1xf32>
    %reduce_max3A_375 = vector.extract %reduce_max3A_374[0, 0, 0] : f32 from vector<1x1x1xf32>
    %get3A_376 = arith.constant 0 : index
    %get3A_377 = arith.constant 0 : index
    %get3A_378 = vector.load %arg8[%get3A_376, %get3A_377] : memref<1x128xf32, #tpu.memory_space<vmem>>, vector<1x128xf32>
    %max3A_379 = vector.broadcast %reduce_max3A_375 : f32 to vector<1x128xf32>
    %max3A_380 = arith.maximumf %get3A_378, %max3A_379 : vector<1x128xf32>
    %slice3A_381 = vector.extract_strided_slice %max3A_380 {offsets = [0, 0], sizes = [1, 1], strides = [1, 1]} : vector<1x128xf32> to vector<1x1xf32>
    %squeeze3A = vector.extract %slice3A_381[0, 0] : f32 from vector<1x1xf32>
    %sub3A = vector.broadcast %squeeze3A : f32 to vector<1x1696xf32>
    %sub3A_382 = arith.subf %add3A_371, %sub3A : vector<1x1696xf32>
    %exp3A = math.exp %sub3A_382 : vector<1x1696xf32>
    %reduce_sum3A_383 = vector.shape_cast %exp3A : vector<1x1696xf32> to vector<1x1x1696xf32>
    %reduce_sum3A_384 = arith.constant dense<0.000000e+00> : vector<1xf32>
    %reduce_sum3A_385 = vector.multi_reduction <add>, %reduce_sum3A_383, %reduce_sum3A_384 [1, 2] : vector<1x1x1696xf32> to vector<1xf32>
    %reduce_sum3A_386 = vector.shape_cast %reduce_sum3A_385 : vector<1xf32> to vector<1x1x1xf32>
    %reduce_sum3A_387 = vector.extract %reduce_sum3A_386[0, 0, 0] : f32 from vector<1x1x1xf32>
    %get3A_388 = arith.constant 0 : index
    %get3A_389 = arith.constant 0 : index
    %get3A_390 = vector.load %arg9[%get3A_388, %get3A_389] : memref<1x128xf32, #tpu.memory_space<vmem>>, vector<1x128xf32>
    %sub3A_391 = arith.subf %get3A_378, %max3A_380 : vector<1x128xf32>
    %exp3A_392 = math.exp %sub3A_391 : vector<1x128xf32>
    %mul3A_393 = arith.mulf %get3A_390, %exp3A_392 : vector<1x128xf32>
    %add3A_394 = vector.broadcast %reduce_sum3A_387 : f32 to vector<1x128xf32>
    %add3A_395 = arith.addf %mul3A_393, %add3A_394 : vector<1x128xf32>
    %swap3A_396 = arith.constant 0 : index
    %swap3A_397 = arith.constant 0 : index
    %swap3A_398 = vector.load %arg9[%swap3A_396, %swap3A_397] : memref<1x128xf32, #tpu.memory_space<vmem>>, vector<1x128xf32>
    tpu.vector_store %arg9[%swap3A_396, %swap3A_397], %add3A_395 {strides = array<i32>} : memref<1x128xf32, #tpu.memory_space<vmem>>, vector<1x128xf32>,
    %swap3A_399 = arith.constant 0 : index
    %swap3A_400 = arith.constant 0 : index
    %swap3A_401 = vector.load %arg8[%swap3A_399, %swap3A_400] : memref<1x128xf32, #tpu.memory_space<vmem>>, vector<1x128xf32>
    tpu.vector_store %arg8[%swap3A_399, %swap3A_400], %max3A_380 {strides = array<i32>} : memref<1x128xf32, #tpu.memory_space<vmem>>, vector<1x128xf32>,
    %swap3A_402 = arith.constant 0 : index
    %swap3A_403 = arith.constant 98304 : index
    %swap3A_404 = vector.load %arg6[%swap3A_402, %swap3A_403] : memref<1x100000xf32, #tpu.memory_space<vmem>>, vector<1x1696xf32>
    tpu.vector_store %arg6[%swap3A_402, %swap3A_403], %add3A_371 {strides = array<i32>} : memref<1x100000xf32, #tpu.memory_space<vmem>>, vector<1x1696xf32>,
    %get3A_405 = arith.constant 0 : index
    %get3A_406 = arith.constant 0 : index
    %get3A_407 = vector.load %arg8[%get3A_405, %get3A_406] : memref<1x128xf32, #tpu.memory_space<vmem>>, vector<1x1xf32>
    %get3A_408 = arith.constant 0 : index
    %get3A_409 = arith.constant 0 : index
    %get3A_410 = vector.load %arg9[%get3A_408, %get3A_409] : memref<1x128xf32, #tpu.memory_space<vmem>>, vector<1x1xf32>
    %log3A = math.log %get3A_410 : vector<1x1xf32>
    %add3A_411 = arith.addf %get3A_407, %log3A : vector<1x1xf32>
    %get3A_412 = arith.constant 0 : index
    %get3A_413 = arith.constant 0 : index
    %get3A_414 = vector.load %arg6[%get3A_412, %get3A_413] : memref<1x100000xf32, #tpu.memory_space<vmem>>, vector<1x100000xf32>
    %sub3A_415 = vector.broadcast %add3A_411 : vector<1x1xf32> to vector<1x100000xf32>
    %sub3A_416 = arith.subf %get3A_414, %sub3A_415 : vector<1x100000xf32>
    %swap3A_417 = arith.constant 0 : index
    %swap3A_418 = arith.constant 0 : index
    %swap3A_419 = vector.load %arg6[%swap3A_417, %swap3A_418] : memref<1x100000xf32, #tpu.memory_space<vmem>>, vector<1x100000xf32>
    tpu.vector_store %arg6[%swap3A_417, %swap3A_418], %sub3A_416 {strides = array<i32>} : memref<1x100000xf32, #tpu.memory_space<vmem>>, vector<1x100000xf32>,
    return
  }
}

</mosaic_0001>

<sc_bundles>
// kernel: kernel.4.cloned.1.call-start
scs
__scs_entry_jumppad:
0x0: {  	(pc) =	sbr.rel $0x88, $3  }
0x1: {  	(tag) =	ssettag $0x0;
	lr =	simm.s32 $0x1  }
0x2: {  	[smem:$0x3F9B] =	sst lr;
	_ =	strace $0xD0000000  }
0x3: {  	_ = 	snop  }
0x4: {  	_ = 	snop  }
0x5: {  	_ = 	snop  }
0x6: {  	_ = 	snop  }
0x7: {  	_ = 	snop  }
__scs_overlays_trampoline_lowered:
0x8: {  	[smem:$0x3FAA] =	sst s0  }
0x9: {  	[smem:$0x3FAB] =	sst s1  }
0xa: {  	[smem:$0x3FAC] =	sst s2  }
0xb: {  	[smem:$0x3FAD] =	sst s3  }
0xc: {  	[smem:$0x3FAE] =	sst s4  }
0xd: {  	[smem:$0x3FAF] =	sst s5  }
0xe: {  	[smem:$0x3FB0] =	sst s6  }
0xf: {  	[smem:$0x3FB1] =	sst s7  }
0x10: {  	[smem:$0x3FB2] =	sst s8  }
0x11: {  	[smem:$0x3FB3] =	sst s9;
	s0 =	simm.s32 @!p0 $0x0  }
0x12: {  	s1 =	sld [smem:$0x3F99];
	s0 =	simm.s32 @p0 $0x1  }
0x13: {  	[smem:$0x3FB4] =	sst s0;
	s0 =	simm.s32 @!p1 $0x0  }
0x14: {  	s2 =	sld [smem:$0x3F98];
	s0 =	simm.s32 @p1 $0x1  }
0x15: {  	[smem:$0x3FB5] =	sst s0;
	s0 =	simm.s32 @!p2 $0x0  }
0x16: {  	s3 =	sld [smem:$0x3FDB];
	s0 =	simm.s32 @p2 $0x1  }
0x17: {  	s4 =	simm.s32 $0x1BF5;
	[smem:$0x3FB7] =	sst s0  }
0x18: {  	s0 =	sld [smem:$0x3F9A];
	_ =	swait.ge [sflag:s4], $0x0  }
0x19: {  	s7 =	sld [smem:$0x3F9B]  }
0x1a: {  	s8 =	sadd.s32 $0xFFFFE003, lr  }
0x1b: {  	s9 =	sadd.s32 $0xFFFFFEF7, lr;
	s5 =	simm.s32 $0xFFFFFFFF;
	p2 =	slt.u32 s8, $0xFFFFF086  }
0x1c: {  	p1 =	slt.u32 s9, $0xF7A;
	s5 =	simm.s32 @!p2 $0x0  }
0x1d: {  	s5 =	simm.s32 @p1 $0x1;
	p0 =	seq.s32 s7, s2  }
0x1e: {  	s7 =	smul.u32 @!p0 $0xF7A, s2;
	p2 =	seq.s32 @!p0 s5, $0x0  }
0x1f: {  	s9 =	smul.u32 $0xF7A, s1;
	s8 =	simm.s32 @!p0 $0x1BF5;
	p2 =	por !p2, p0  }
0x20: {  	[sflag:s8] =	ssyncset.s32 @!p0 $0xFFFFF086;
	s6 =	sadd.s32 @!p0 s3, s7;
	s7 =	simm.s32 @!p0 $0x108  }
0x21: {  	s3 =	sadd.s32 s3, s9;
	s6 =	sadd.s32 @!p0 $0x88, s6;
	s7 =	simm.s32 @p2 $0x1082  }
0x22: {  	[simem:s7], [sflag:s8] =	dma.local @!p0 [hbm:s6], $0xF7A  }
0x23: {  	s9 =	sor.u32 $0xD0000000, s2;
	s6 =	simm.s32 $0x108;
	_ =	swait.ge @!p0 [sflag:s8], $0x0  }
0x24: {  	s3 =	sadd.s32 $0x88, s3;
	s6 =	simm.s32 @!p1 $0x1082;
	[sflag:s4] =	ssyncset.s32 $0xFFFFF086  }
0x25: {  	[simem:s6], [sflag:s4] =	dma.local [hbm:s3], $0xF7A  }
0x26: {  	[smem:$0x3F9B] =	sst s1;
	(tag) =	ssettag s2;
	_ =	strace s9  }
0x27: {  	s1 =	sld [smem:$0x3FAB]  }
0x28: {  	s2 =	sld [smem:$0x3FAC]  }
0x29: {  	s4 =	sld [smem:$0x3FAE]  }
0x2a: {  	p0 =	seq.s32 s5, $0x0;
	s5 =	sld [smem:$0x3FAF]  }
0x2b: {  	s6 =	sld [smem:$0x3FB0]  }
0x2c: {  	s7 =	sld [smem:$0x3FB1]  }
0x2d: {  	s3 =	simm.s32 $0x108;
	s8 =	sld [smem:$0x3FB2]  }
0x2e: {  	s3 =	simm.s32 @!p0 $0x1082;
	s9 =	sld [smem:$0x3FB3]  }
0x2f: {  	lr =	sadd.s32 s0, s3;
	s0 =	sld [smem:$0x3FAA]  }
0x30: {  	s3 =	sld [smem:$0x3FAD]  }
0x31: {  	[smem:$0x3FB6] =	sst s10  }
0x32: {  	s10 =	sld [smem:$0x3FB4];
	_ =	sdelay $0x3  }
0x33: {  	p0 =	seq.s32 s10, $0x1;
	s10 =	sld [smem:$0x3FB6];
	_ =	sdelay $0x3  }
0x34: {  	[smem:$0x3FB6] =	sst s10  }
0x35: {  	s10 =	sld [smem:$0x3FB5];
	_ =	sdelay $0x3  }
0x36: {  	p1 =	seq.s32 s10, $0x1;
	s10 =	sld [smem:$0x3FB6];
	_ =	sdelay $0x3  }
0x37: {  	[smem:$0x3FB6] =	sst s10  }
0x38: {  	s10 =	sld [smem:$0x3FB7]  }
0x39: {  	_ = 	snop;
	(pc) =	sbr.ind lr, $3  }
0x3a: {  	_ = 	snop  }
0x3b: {  	_ = 	snop  }
0x3c: {  	p2 =	seq.s32 s10, $0x1;
	s10 =	sld [smem:$0x3FB6]  }
0x3d: {  	_ =	shalt  }
0x3e: {  	_ =	shalt  }
0x3f: {  	_ =	shalt  }
0x40: {  	_ =	shalt  }
0x41: {  	_ =	shalt  }
0x42: {  	_ =	shalt  }
0x43: {  	_ =	shalt  }
0x44: {  	_ =	shalt  }
0x45: {  	_ =	shalt  }
0x46: {  	_ =	shalt  }
0x47: {  	_ =	shalt  }
0x48: {  	_ =	shalt  }
0x49: {  	_ =	shalt  }
0x4a: {  	_ =	shalt  }
0x4b: {  	_ =	shalt  }
0x4c: {  	_ =	shalt  }
0x4d: {  	_ =	shalt  }
0x4e: {  	_ =	shalt  }
0x4f: {  	_ =	shalt  }
0x50: {  	_ =	shalt  }
0x51: {  	_ =	shalt  }
0x52: {  	_ =	shalt  }
0x53: {  	_ =	shalt  }
0x54: {  	_ =	shalt  }
0x55: {  	_ =	shalt  }
0x56: {  	_ =	shalt  }
0x57: {  	_ =	shalt  }
0x58: {  	_ =	shalt  }
0x59: {  	_ =	shalt  }
0x5a: {  	_ =	shalt  }
0x5b: {  	_ =	shalt  }
0x5c: {  	_ =	shalt  }
0x5d: {  	_ =	shalt  }
0x5e: {  	_ =	shalt  }
0x5f: {  	_ =	shalt  }
0x60: {  	_ =	shalt  }
0x61: {  	_ =	shalt  }
0x62: {  	_ =	shalt  }
0x63: {  	_ =	shalt  }
0x64: {  	_ =	shalt  }
0x65: {  	_ =	shalt  }
0x66: {  	_ =	shalt  }
0x67: {  	_ =	shalt  }
0x68: {  	_ =	shalt  }
0x69: {  	_ =	shalt  }
0x6a: {  	_ =	shalt  }
0x6b: {  	_ =	shalt  }
0x6c: {  	_ =	shalt  }
0x6d: {  	_ =	shalt  }
0x6e: {  	_ =	shalt  }
0x6f: {  	_ =	shalt  }
0x70: {  	_ =	shalt  }
0x71: {  	_ =	shalt  }
0x72: {  	_ =	shalt  }
0x73: {  	_ =	shalt  }
0x74: {  	_ =	shalt  }
0x75: {  	_ =	shalt  }
0x76: {  	_ =	shalt  }
0x77: {  	_ =	shalt  }
0x78: {  	_ =	shalt  }
0x79: {  	_ =	shalt  }
0x7a: {  	_ =	shalt  }
0x7b: {  	_ =	shalt  }
0x7c: {  	_ =	shalt  }
0x7d: {  	_ =	shalt  }
0x7e: {  	_ =	shalt  }
0x7f: {  	_ =	shalt  }
0x80: {  	_ =	shalt  }
0x81: {  	_ =	shalt  }
0x82: {  	_ =	shalt  }
0x83: {  	_ =	shalt  }
0x84: {  	_ =	shalt  }
0x85: {  	_ =	shalt  }
0x86: {  	_ =	shalt  }
0x87: {  	_ =	shalt  }
.Lfunc_end0:
.L_simem_size_0:
called_computation_lowered:
.L_overlay_start_0:
0x88: {  	s2 =	sld [smem:$0x3FD9]  }
0x89: {  	s3 =	sld [smem:$0x3FFE];
	_ =	sdelay $0x1  }
0x8a: {  	s1 =	srdreg.scid  }
0x8b: {  	s0 =	sand.u32 $0x1, s1  }
0x8c: {  	s28 =	sshll.u32 s0, $0xA;
	s2 =	sadd.s32 s3, s2  }
0x8d: {  	s2 =	sadd.s32 s2, s28  }
0x8e: {  	s29 =	simm.s32 $0x0;
	[smem:$0x3FC2] =	sst s2  }
0x8f: {  	[smem:$0xF] =	sst s29  }
0x90: {  	s3 =	sld [smem:$0x3FD0];
	(tm) =	ssettm $0x1  }
0x91: {  	s30 =	sld [smem:$0x3FFB];
	_ =	sdelay $0x3  }
0x92: {  	_ =	strace s30  }
0x93: {  	s2 =	sld [smem:$0x3FFC];
	_ =	sdelay $0x3  }
0x94: {  	_ =	strace s2  }
0x95: {  	s2 =	sld [smem:$0x3FFD];
	_ =	sdelay $0x3  }
0x96: {  	_ =	strace s2  }
0x97: {  	s31 =	simm.s32 $0x1B8B;
	_ =	strace $0x8FFFFFFF  }
0x98: {  	p0 =	seq.s32 s0, $0x1;
	_ =	swait.ge [sflag:s31], $0x1  }
.Ltmp0:
0x99: {  	[sflag:s31] =	ssyncset.done $0x0;
	(pc) =	sbr.rel @p0 .LBB1_2-.Ltmp0, $3  }
0x9a: {  	s4 =	simm.s32 $0x1B8E;
	[sflag:s31] =	ssyncadd.s32 $0xFFFFFFFF  }
0x9b: {  	[smem:$0x3FD2] =	sst s4  }
0x9c: {  	s2 =	sld [smem:$0x3FFE];
	_ =	strace $0x80000046  }
0x9d: {  	_ =	sdelay $0x2  }
0x9e: {  	s5 =	simm.s32 $0xA;
	s6 =	simm.s32 $0x10;
	s4 =	sadd.s32 $0xE00, s2  }
0x9f: {  	[smem:s6], [sflag:s5] =	dma.local [hbm:s4], $0x10  }
0xa0: {  	_ =	swait.ge [sflag:s5], $0x10  }
0xa1: {  	[sflag:s5] =	ssyncset.done $0x0  }
0xa2: {  	[sflag:s5] =	ssyncadd.s32 $0xFFFFFFF0  }
0xa3: {  	s7 =	sld [smem:$0x10];
	_ =	sdelay $0x3  }
0xa4: {  	s8 =	sshll.u32 s7, $0x7  }
0xa5: {  	s9 =	sadd.s32 $0x1000, s2;
	s10 =	sand.u32 $0x1FFFFF80, s8  }
0xa6: {  	s11 =	simm.s32 $0x9;
	s5 =	sadd.s32 s9, s10  }
0xa7: {  	[hbm:s3], [sflag:s11] =	dma.local [hbm:s5], $0x80  }
0xa8: {  	s5 =	sld [smem:$0x11];
	_ =	sdelay $0x3  }
0xa9: {  	s5 =	sshll.u32 s5, $0x7  }
0xaa: {  	s5 =	sand.u32 $0x1FFFFF80, s5  }
0xab: {  	s12 =	sadd.s32 $0x80, s3;
	s5 =	sadd.s32 s9, s5  }
0xac: {  	[hbm:s12], [sflag:s11] =	dma.local [hbm:s5], $0x80  }
0xad: {  	s5 =	sld [smem:$0x12];
	_ =	sdelay $0x3  }
0xae: {  	s5 =	sshll.u32 s5, $0x7  }
0xaf: {  	s5 =	sand.u32 $0x1FFFFF80, s5  }
0xb0: {  	s13 =	sadd.s32 $0x100, s3;
	s5 =	sadd.s32 s9, s5  }
0xb1: {  	[hbm:s13], [sflag:s11] =	dma.local [hbm:s5], $0x80  }
0xb2: {  	s5 =	sld [smem:$0x13];
	_ =	sdelay $0x3  }
0xb3: {  	s5 =	sshll.u32 s5, $0x7  }
0xb4: {  	s5 =	sand.u32 $0x1FFFFF80, s5  }
0xb5: {  	s14 =	sadd.s32 $0x180, s3;
	s5 =	sadd.s32 s9, s5  }
0xb6: {  	[hbm:s14], [sflag:s11] =	dma.local [hbm:s5], $0x80  }
0xb7: {  	s5 =	sld [smem:$0x14];
	_ =	sdelay $0x3  }
0xb8: {  	s5 =	sshll.u32 s5, $0x7  }
0xb9: {  	s5 =	sand.u32 $0x1FFFFF80, s5  }
0xba: {  	s15 =	sadd.s32 $0x200, s3;
	s5 =	sadd.s32 s9, s5  }
0xbb: {  	[hbm:s15], [sflag:s11] =	dma.local [hbm:s5], $0x80  }
0xbc: {  	s5 =	sld [smem:$0x15];
	_ =	sdelay $0x3  }
0xbd: {  	s5 =	sshll.u32 s5, $0x7  }
0xbe: {  	s5 =	sand.u32 $0x1FFFFF80, s5  }
0xbf: {  	s16 =	sadd.s32 $0x280, s3;
	s5 =	sadd.s32 s9, s5  }
0xc0: {  	[hbm:s16], [sflag:s11] =	dma.local [hbm:s5], $0x80  }
0xc1: {  	s5 =	sld [smem:$0x16];
	_ =	sdelay $0x3  }
0xc2: {  	s5 =	sshll.u32 s5, $0x7  }
0xc3: {  	s5 =	sand.u32 $0x1FFFFF80, s5  }
0xc4: {  	s17 =	sadd.s32 $0x300, s3;
	s5 =	sadd.s32 s9, s5  }
0xc5: {  	[hbm:s17], [sflag:s11] =	dma.local [hbm:s5], $0x80  }
0xc6: {  	s5 =	sld [smem:$0x17];
	_ =	sdelay $0x3  }
0xc7: {  	s5 =	sshll.u32 s5, $0x7  }
0xc8: {  	s5 =	sand.u32 $0x1FFFFF80, s5  }
0xc9: {  	s18 =	sadd.s32 $0x380, s3;
	s5 =	sadd.s32 s9, s5  }
0xca: {  	[hbm:s18], [sflag:s11] =	dma.local [hbm:s5], $0x80  }
0xcb: {  	s5 =	sld [smem:$0x18];
	_ =	sdelay $0x3  }
0xcc: {  	s5 =	sshll.u32 s5, $0x7  }
0xcd: {  	s5 =	sand.u32 $0x1FFFFF80, s5  }
0xce: {  	s19 =	sadd.s32 $0x400, s3;
	s5 =	sadd.s32 s9, s5  }
0xcf: {  	[hbm:s19], [sflag:s11] =	dma.local [hbm:s5], $0x80  }
0xd0: {  	s5 =	sld [smem:$0x19];
	_ =	sdelay $0x3  }
0xd1: {  	s5 =	sshll.u32 s5, $0x7  }
0xd2: {  	s5 =	sand.u32 $0x1FFFFF80, s5  }
0xd3: {  	s20 =	sadd.s32 $0x480, s3;
	s5 =	sadd.s32 s9, s5  }
0xd4: {  	[hbm:s20], [sflag:s11] =	dma.local [hbm:s5], $0x80  }
0xd5: {  	s5 =	sld [smem:$0x1A];
	_ =	sdelay $0x3  }
0xd6: {  	s5 =	sshll.u32 s5, $0x7  }
0xd7: {  	s5 =	sand.u32 $0x1FFFFF80, s5  }
0xd8: {  	s21 =	sadd.s32 $0x500, s3;
	s5 =	sadd.s32 s9, s5  }
0xd9: {  	[hbm:s21], [sflag:s11] =	dma.local [hbm:s5], $0x80  }
0xda: {  	s5 =	sld [smem:$0x1B];
	_ =	sdelay $0x3  }
0xdb: {  	s5 =	sshll.u32 s5, $0x7  }
0xdc: {  	s5 =	sand.u32 $0x1FFFFF80, s5  }
0xdd: {  	s22 =	sadd.s32 $0x580, s3;
	s5 =	sadd.s32 s9, s5  }
0xde: {  	[hbm:s22], [sflag:s11] =	dma.local [hbm:s5], $0x80  }
0xdf: {  	s5 =	sld [smem:$0x1C];
	_ =	sdelay $0x3  }
0xe0: {  	s5 =	sshll.u32 s5, $0x7  }
0xe1: {  	s5 =	sand.u32 $0x1FFFFF80, s5  }
0xe2: {  	s23 =	sadd.s32 $0x600, s3;
	s5 =	sadd.s32 s9, s5  }
0xe3: {  	[hbm:s23], [sflag:s11] =	dma.local [hbm:s5], $0x80  }
0xe4: {  	s5 =	sld [smem:$0x1D];
	_ =	sdelay $0x3  }
0xe5: {  	s5 =	sshll.u32 s5, $0x7  }
0xe6: {  	s5 =	sand.u32 $0x1FFFFF80, s5  }
0xe7: {  	s24 =	sadd.s32 $0x680, s3;
	s5 =	sadd.s32 s9, s5  }
0xe8: {  	[hbm:s24], [sflag:s11] =	dma.local [hbm:s5], $0x80  }
0xe9: {  	s5 =	sld [smem:$0x1E];
	_ =	sdelay $0x3  }
0xea: {  	s5 =	sshll.u32 s5, $0x7  }
0xeb: {  	s5 =	sand.u32 $0x1FFFFF80, s5  }
0xec: {  	s25 =	sadd.s32 $0x700, s3;
	s5 =	sadd.s32 s9, s5  }
0xed: {  	[hbm:s25], [sflag:s11] =	dma.local [hbm:s5], $0x80  }
0xee: {  	s5 =	sld [smem:$0x1F];
	_ =	sdelay $0x3  }
0xef: {  	s5 =	sshll.u32 s5, $0x7  }
0xf0: {  	s5 =	sand.u32 $0x1FFFFF80, s5  }
0xf1: {  	s26 =	sadd.s32 $0x780, s3;
	s5 =	sadd.s32 s9, s5  }
0xf2: {  	[hbm:s26], [sflag:s11] =	dma.local [hbm:s5], $0x80  }
0xf3: {  	s5 =	sld [smem:$0x20];
	_ =	sdelay $0x3  }
0xf4: {  	s5 =	sshll.u32 s5, $0x7  }
0xf5: {  	s5 =	sand.u32 $0x1FFFFF80, s5  }
0xf6: {  	s28 =	sadd.s32 $0x800, s3;
	s5 =	sadd.s32 s9, s5  }
0xf7: {  	[hbm:s28], [sflag:s11] =	dma.local [hbm:s5], $0x80  }
0xf8: {  	s5 =	sld [smem:$0x21];
	_ =	sdelay $0x3  }
0xf9: {  	s5 =	sshll.u32 s5, $0x7  }
0xfa: {  	s5 =	sand.u32 $0x1FFFFF80, s5  }
0xfb: {  	s29 =	sadd.s32 $0x880, s3;
	s5 =	sadd.s32 s9, s5  }
0xfc: {  	[hbm:s29], [sflag:s11] =	dma.local [hbm:s5], $0x80  }
0xfd: {  	s5 =	sld [smem:$0x22];
	_ =	sdelay $0x3  }
0xfe: {  	s5 =	sshll.u32 s5, $0x7  }
0xff: {  	s5 =	sand.u32 $0x1FFFFF80, s5  }
0x100: {  	s30 =	sadd.s32 $0x900, s3;
	s5 =	sadd.s32 s9, s5  }
0x101: {  	[hbm:s30], [sflag:s11] =	dma.local [hbm:s5], $0x80  }
0x102: {  	s5 =	sld [smem:$0x23];
	_ =	sdelay $0x3  }
0x103: {  	s5 =	sshll.u32 s5, $0x7  }
0x104: {  	s5 =	sand.u32 $0x1FFFFF80, s5  }
0x105: {  	s31 =	sadd.s32 $0x980, s3;
	s4 =	sadd.s32 s9, s5  }
0x106: {  	[hbm:s31], [sflag:s11] =	dma.local [hbm:s4], $0x80  }
0x107: {  	_ =	swait.ge [sflag:s11], $0x80  }
0x108: {  	[sflag:s11] =	ssyncset.done $0x0  }
0x109: {  	[sflag:s11] =	ssyncadd.s32 $0xFFFFFF80;
	_ =	sdelay $0x2  }
0x10a: {  	_ =	swait.ge [sflag:s11], $0x80  }
0x10b: {  	[sflag:s11] =	ssyncset.done $0x0  }
0x10c: {  	[sflag:s11] =	ssyncadd.s32 $0xFFFFFF80;
	_ =	sdelay $0x2  }
0x10d: {  	_ =	swait.ge [sflag:s11], $0x80  }
0x10e: {  	[sflag:s11] =	ssyncset.done $0x0  }
0x10f: {  	[sflag:s11] =	ssyncadd.s32 $0xFFFFFF80;
	_ =	sdelay $0x2  }
0x110: {  	_ =	swait.ge [sflag:s11], $0x80  }
0x111: {  	[sflag:s11] =	ssyncset.done $0x0  }
0x112: {  	[sflag:s11] =	ssyncadd.s32 $0xFFFFFF80;
	_ =	sdelay $0x2  }
0x113: {  	_ =	swait.ge [sflag:s11], $0x80  }
0x114: {  	[sflag:s11] =	ssyncset.done $0x0  }
0x115: {  	[sflag:s11] =	ssyncadd.s32 $0xFFFFFF80;
	_ =	sdelay $0x2  }
0x116: {  	_ =	swait.ge [sflag:s11], $0x80  }
0x117: {  	[sflag:s11] =	ssyncset.done $0x0  }
0x118: {  	[sflag:s11] =	ssyncadd.s32 $0xFFFFFF80;
	_ =	sdelay $0x2  }
0x119: {  	_ =	swait.ge [sflag:s11], $0x80  }
0x11a: {  	[sflag:s11] =	ssyncset.done $0x0  }
0x11b: {  	[sflag:s11] =	ssyncadd.s32 $0xFFFFFF80;
	_ =	sdelay $0x2  }
0x11c: {  	_ =	swait.ge [sflag:s11], $0x80  }
0x11d: {  	[sflag:s11] =	ssyncset.done $0x0  }
0x11e: {  	[sflag:s11] =	ssyncadd.s32 $0xFFFFFF80;
	_ =	sdelay $0x2  }
0x11f: {  	_ =	swait.ge [sflag:s11], $0x80  }
0x120: {  	[sflag:s11] =	ssyncset.done $0x0  }
0x121: {  	[sflag:s11] =	ssyncadd.s32 $0xFFFFFF80;
	_ =	sdelay $0x2  }
0x122: {  	_ =	swait.ge [sflag:s11], $0x80  }
0x123: {  	[sflag:s11] =	ssyncset.done $0x0  }
0x124: {  	[sflag:s11] =	ssyncadd.s32 $0xFFFFFF80;
	_ =	sdelay $0x2  }
0x125: {  	_ =	swait.ge [sflag:s11], $0x80  }
0x126: {  	[sflag:s11] =	ssyncset.done $0x0  }
0x127: {  	[sflag:s11] =	ssyncadd.s32 $0xFFFFFF80;
	_ =	sdelay $0x2  }
0x128: {  	_ =	swait.ge [sflag:s11], $0x80  }
0x129: {  	[sflag:s11] =	ssyncset.done $0x0  }
0x12a: {  	[sflag:s11] =	ssyncadd.s32 $0xFFFFFF80;
	_ =	sdelay $0x2  }
0x12b: {  	_ =	swait.ge [sflag:s11], $0x80  }
0x12c: {  	[sflag:s11] =	ssyncset.done $0x0  }
0x12d: {  	[sflag:s11] =	ssyncadd.s32 $0xFFFFFF80;
	_ =	sdelay $0x2  }
0x12e: {  	_ =	swait.ge [sflag:s11], $0x80  }
0x12f: {  	[sflag:s11] =	ssyncset.done $0x0  }
0x130: {  	[sflag:s11] =	ssyncadd.s32 $0xFFFFFF80;
	_ =	sdelay $0x2  }
0x131: {  	_ =	swait.ge [sflag:s11], $0x80  }
0x132: {  	[sflag:s11] =	ssyncset.done $0x0  }
0x133: {  	[sflag:s11] =	ssyncadd.s32 $0xFFFFFF80;
	_ =	sdelay $0x2  }
0x134: {  	_ =	swait.ge [sflag:s11], $0x80  }
0x135: {  	[sflag:s11] =	ssyncset.done $0x0  }
0x136: {  	[sflag:s11] =	ssyncadd.s32 $0xFFFFFF80;
	_ =	sdelay $0x2  }
0x137: {  	_ =	swait.ge [sflag:s11], $0x80  }
0x138: {  	[sflag:s11] =	ssyncset.done $0x0  }
0x139: {  	[sflag:s11] =	ssyncadd.s32 $0xFFFFFF80;
	_ =	sdelay $0x2  }
0x13a: {  	_ =	swait.ge [sflag:s11], $0x80  }
0x13b: {  	[sflag:s11] =	ssyncset.done $0x0  }
0x13c: {  	[sflag:s11] =	ssyncadd.s32 $0xFFFFFF80;
	_ =	sdelay $0x2  }
0x13d: {  	_ =	swait.ge [sflag:s11], $0x80  }
0x13e: {  	[sflag:s11] =	ssyncset.done $0x0  }
0x13f: {  	[sflag:s11] =	ssyncadd.s32 $0xFFFFFF80;
	_ =	sdelay $0x2  }
0x140: {  	_ =	swait.ge [sflag:s11], $0x80  }
0x141: {  	[sflag:s11] =	ssyncset.done $0x0  }
0x142: {  	[sflag:s11] =	ssyncadd.s32 $0xFFFFFF80  }
.LBB1_2:
0x143: {  	_ =	strace $0x90000046  }
0x144: {  	_ =	sfence  }
0x145: {  	s2 =	sld [smem:$0x0];
	_ =	sdelay $0x2  }
0x146: {  	s3 =	sshll.u32 s1, $0xD;
	s31 =	sshrl.u32 s1, $0x2  }
0x147: {  	s3 =	sand.u32 $0x4000, s3;
	s1 =	sadd.s32 s31, s2  }
0x148: {  	s0 =	sor.u32 s3, s0;
	s1 =	sshll.u32 s1, $0x11  }
0x149: {  	s0 =	sor.u32 s1, s0  }
0x14a: {  	s0 =	sadd.s32 $0x8F2B, s0;
	(pc) =	sbr.abs _section_cstart, $3  }
0x14b: {  	[sflag:s0] =	ssyncadd.remote.s32 $0x1  }
0x14c: {  	_ =	strace $0x9FFFFFFF  }
0x14d: {  	(tm) =	ssettm $0x7FFFFFFF  }

</sc_bundles>
